<compile_context>
chip_gen: v7x
topology: tpu7x:2x2x1
jax: 0.10.2.dev20260603
libtpu: 0.0.44.dev20260713+nightly
codegen_flags: <defaults>
</compile_context>

<pallas_src>
import jax
import jax.numpy as jnp
from jax.experimental import pallas as pl

_BP = 1024


def _pt_kernel(ptx_ref, wc_ref, clx_ref, a_ref, t_ref):
    sa = jnp.dot(ptx_ref[...], wc_ref[...], preferred_element_type=jnp.float32)
    e = jnp.exp(sa[:, 0:1])
    a = sa[:, 1:]
    a_ref[...] = a
    v = jnp.concatenate([e, e * a], axis=1)
    c = v
    off = 1
    rows = v.shape[0]
    while off < rows:
        c = c + jnp.concatenate(
            [jnp.zeros((off, c.shape[1]), c.dtype), c[:-off]], axis=0
        )
        off *= 2
    clx_ref[...] = c - v
    t_ref[pl.ds(pl.program_id(0), 1), :] = c[-1:, :]


def _px_kernel(f_ref, w_ref, b_ref, g_ref):
    g_ref[...] = (
        jnp.dot(f_ref[...], w_ref[...], preferred_element_type=jnp.float32)
        + b_ref[...]
    )


def kernel(x, ptx, W_sm, b_sm, W_feat, b_feat, bs, height, width, point_key, pixel_tgt_idx):
    n_points, ptxch = ptx.shape
    n_pix = point_key.shape[0] - 1
    _, xch, h, w = x.shape
    out_ch = W_feat.shape[0]
    nb = n_points // _BP

    wc = jnp.concatenate([W_sm[:, :ptxch].T, W_feat[:, :ptxch].T], axis=1)
    clx, a_pt, t = pl.pallas_call(
        _pt_kernel,
        grid=(nb,),
        in_specs=[
            pl.BlockSpec((_BP, ptxch), lambda i: (i, 0)),
            pl.BlockSpec((ptxch, ptxch + 1), lambda i: (0, 0)),
        ],
        out_specs=[
            pl.BlockSpec((_BP, ptxch + 1), lambda i: (i, 0)),
            pl.BlockSpec((_BP, ptxch), lambda i: (i, 0)),
            pl.BlockSpec((nb, ptxch + 1), lambda i: (0, 0)),
        ],
        out_shape=[
            jax.ShapeDtypeStruct((n_points, ptxch + 1), jnp.float32),
            jax.ShapeDtypeStruct((n_points, ptxch), jnp.float32),
            jax.ShapeDtypeStruct((nb, ptxch + 1), jnp.float32),
        ],
    )(ptx, wc)

    feat_pix = jnp.transpose(x, (0, 2, 3, 1)).reshape(h * w, xch)[pixel_tgt_idx]
    npb = n_pix // _BP
    g = pl.pallas_call(
        _px_kernel,
        grid=(npb,),
        in_specs=[
            pl.BlockSpec((_BP, xch), lambda i: (i, 0)),
            pl.BlockSpec((xch, out_ch), lambda i: (0, 0)),
            pl.BlockSpec((1, out_ch), lambda i: (0, 0)),
        ],
        out_specs=pl.BlockSpec((_BP, out_ch), lambda i: (i, 0)),
        out_shape=jax.ShapeDtypeStruct((n_pix, out_ch), jnp.float32),
    )(feat_pix, W_feat[:, ptxch:].T, b_feat.reshape(1, out_ch))

    p = jnp.concatenate(
        [jnp.zeros((1, ptxch + 1), jnp.float32), jnp.cumsum(t, axis=0)], axis=0
    )
    clxp = jnp.concatenate([clx, jnp.zeros((1, ptxch + 1), jnp.float32)], axis=0)
    pk = point_key.astype(jnp.int32)
    lo, hi = pk[:-1], pk[1:]
    d = (clxp[hi] - clxp[lo]) + (p[hi // _BP] - p[lo // _BP])
    E = d[:, 0:1]
    M = d[:, 1:]
    seg = (M + g * E) / (E + 1e-16)

    counts = hi - lo
    seg_ids = jnp.repeat(jnp.arange(n_pix), counts, total_repeat_length=n_points)
    ptx_out = a_pt + g[seg_ids]

    fmap = jnp.zeros((h * w, out_ch), jnp.float32).at[pixel_tgt_idx].set(seg)
    mask = jnp.zeros((h * w, 1), jnp.float32).at[pixel_tgt_idx].set(1.0)
    fmap = jnp.transpose(fmap.reshape(1, h, w, out_ch), (0, 3, 1, 2))
    mask = jnp.transpose(mask.reshape(1, h, w, 1), (0, 3, 1, 2))
    x_out = jnp.where(mask > 0, fmap, x)
    return (x_out, ptx_out)

# --- scband reference (transcript-rebuilt; emitter-appended) ---
"""Pipeline reference for scband-base-soft-max-79173427134542 (READ-ONLY COPY).

The authoritative reference and input builder live on the scoring server;
editing this copy changes nothing except your own understanding.
"""

import jax, jax.numpy as jnp
import numpy as np

N_POINTS = 393216
N_PIX = 49152
H = 384
W = 384
XCH = 64
PTXCH = 64
IN_CH = 128
OUT_CH = 64


def setup_inputs(seed: int = 0) -> dict:
    key = jax.random.key(seed)
    ks = jax.random.split(key, 8)
    x = jax.random.normal(ks[0], (1, XCH, H, W), dtype=jnp.float32)
    ptx = jax.random.normal(ks[1], (N_POINTS, PTXCH), dtype=jnp.float32)
    inner = jnp.sort(jax.random.randint(ks[2], (N_PIX - 1,), 0, N_POINTS + 1))
    point_key = jnp.concatenate([jnp.array([0], dtype=inner.dtype), inner, jnp.array([N_POINTS], dtype=inner.dtype)]).astype(jnp.int32)
    pixel_tgt_idx = jax.random.permutation(ks[3], H * W)[:N_PIX].astype(jnp.int32)
    W_sm = jax.random.normal(ks[4], (1, IN_CH), dtype=jnp.float32) * (1.0 / np.sqrt(IN_CH))
    b_sm = jnp.zeros((1,), dtype=jnp.float32)
    W_feat = jax.random.normal(ks[5], (OUT_CH, IN_CH), dtype=jnp.float32) * (1.0 / np.sqrt(IN_CH))
    b_feat = jnp.zeros((OUT_CH,), dtype=jnp.float32)
    return {"x": x, "ptx": ptx, "W_sm": W_sm, "b_sm": b_sm, "W_feat": W_feat, "b_feat": b_feat, "bs": 1, "height": H, "width": W, "point_key": point_key, "pixel_tgt_idx": pixel_tgt_idx}


def reference(x, ptx, W_sm, b_sm, W_feat, b_feat, bs, height, width, point_key, pixel_tgt_idx):
    bs_s = x.shape[0]
    height_s = x.shape[2]
    width_s = x.shape[3]
    zero = ((jnp.asarray(bs) - bs_s) + (jnp.asarray(height) - height_s) + (jnp.asarray(width) - width_s)).astype(x.dtype)
    x = x + zero
    xch = x.shape[1]
    n_seg = point_key.shape[0] - 1
    n_points = ptx.shape[0]
    counts = point_key[1:] - point_key[:-1]
    seg_ids = jnp.repeat(jnp.arange(n_seg), counts, total_repeat_length=n_points)
    feat = jnp.transpose(x, (0, 2, 3, 1)).reshape(height_s * width_s, xch)
    feat = feat[pixel_tgt_idx]
    feat = feat[seg_ids]  # gather_csr: broadcast per-segment pixel feature to points
    feat = jnp.concatenate((ptx, feat), axis=1)
    # _net_forward: identity (base class stub)
    scores = feat @ W_sm.T + b_sm
    smax = jax.ops.segment_max(scores, seg_ids, num_segments=n_seg)
    smax = jnp.where(jnp.isfinite(smax), smax, 0.0)
    scores = scores - smax[seg_ids]
    e = jnp.exp(scores)
    ssum = jax.ops.segment_sum(e, seg_ids, num_segments=n_seg)
    weight = e / (ssum[seg_ids] + 1e-16)
    ptx_out = feat @ W_feat.T + b_feat
    wfeat = weight * ptx_out
    seg = jax.ops.segment_sum(wfeat, seg_ids, num_segments=n_seg)
    fmap = jnp.zeros((height_s * width_s, seg.shape[1]), dtype=seg.dtype).at[pixel_tgt_idx].set(seg)
    mask = jnp.zeros((height_s * width_s, 1), dtype=jnp.float32).at[pixel_tgt_idx].set(1.0)
    fmap = jnp.transpose(fmap.reshape(1, height_s, width_s, seg.shape[1]), (0, 3, 1, 2))
    mask = jnp.transpose(mask.reshape(1, height_s, width_s, 1), (0, 3, 1, 2))
    x_out = jnp.where(mask > 0, fmap, x)
    return (x_out, ptx_out)

if __name__ == "__main__":
    import jax
    _d = setup_inputs()
    print(jax.jit(kernel)(*tuple(_d.values())))

</pallas_src>

<mosaic_0001>
module attributes {stable_mosaic.version = 14 : i64} {
  func.func @_pt_kernel(%arg0: i32, %arg1: memref<1024x64xf32, #tpu.memory_space<vmem>>, %arg2: memref<64x65xf32, #tpu.memory_space<vmem>>, %arg3: memref<1024x65xf32, #tpu.memory_space<vmem>>, %arg4: memref<1024x64xf32, #tpu.memory_space<vmem>>, %arg5: memref<384x65xf32, #tpu.memory_space<vmem>>) attributes {dimension_semantics = [#tpu.dimension_semantics<arbitrary>], iteration_bounds = array<i64: 384>, scalar_prefetch = 0 : i64, scratch_operands = 0 : i64, tpu.core_type = #tpu.core_type<tc>, window_params = [{transform_indices = @transform_0, window_bounds = array<i64: 1024, 64>}, {pipeline_mode = #tpu.pipeline_mode<synchronous>, transform_indices = @transform_1, window_bounds = array<i64: 64, 65>}, {transform_indices = @transform_2, window_bounds = array<i64: 1024, 65>}, {transform_indices = @transform_3, window_bounds = array<i64: 1024, 64>}, {pipeline_mode = #tpu.pipeline_mode<synchronous>, transform_indices = @transform_4, window_bounds = array<i64: 384, 65>}]} {
    %get3A = arith.constant 0 : index
    %get3A_0 = arith.constant 0 : index
    %get3A_1 = vector.load %arg1[%get3A, %get3A_0] : memref<1024x64xf32, #tpu.memory_space<vmem>>, vector<1024x64xf32>
    %get3A_2 = arith.constant 0 : index
    %get3A_3 = arith.constant 0 : index
    %get3A_4 = vector.load %arg2[%get3A_2, %get3A_3] : memref<64x65xf32, #tpu.memory_space<vmem>>, vector<64x65xf32>
    %dot_general3A = arith.constant dense<0.000000e+00> : vector<1024x65xf32>
    %dot_general3A_5 = tpu.matmul %get3A_1, %get3A_4, %dot_general3A {dimension_numbers = #tpu.dot_dimension_numbers<[1], [0], [0], [1], [0, 0, 1, 1], [], []>, transpose_lhs_hint = false} : vector<1024x64xf32>, vector<64x65xf32>, vector<1024x65xf32> -> vector<1024x65xf32>
    %slice3A = vector.extract_strided_slice %dot_general3A_5 {offsets = [0, 0], sizes = [1024, 1], strides = [1, 1]} : vector<1024x65xf32> to vector<1024x1xf32>
    %exp3A = math.exp %slice3A : vector<1024x1xf32>
    %slice3A_6 = vector.extract_strided_slice %dot_general3A_5 {offsets = [0, 1], sizes = [1024, 64], strides = [1, 1]} : vector<1024x65xf32> to vector<1024x64xf32>
    %swap3A = arith.constant 0 : index
    %swap3A_7 = arith.constant 0 : index
    %swap3A_8 = vector.load %arg4[%swap3A, %swap3A_7] : memref<1024x64xf32, #tpu.memory_space<vmem>>, vector<1024x64xf32>
    tpu.vector_store %arg4[%swap3A, %swap3A_7], %slice3A_6 {strides = array<i32>} : memref<1024x64xf32, #tpu.memory_space<vmem>>, vector<1024x64xf32>,
    %mul3A = vector.broadcast %exp3A : vector<1024x1xf32> to vector<1024x64xf32>
    %mul3A_9 = arith.mulf %mul3A, %slice3A_6 : vector<1024x64xf32>
    %concatenate3A = tpu.concatenate %exp3A, %mul3A_9 in 1 : vector<1024x1xf32>, vector<1024x64xf32> -> vector<1024x65xf32>
    %broadcast_in_dim3A = arith.constant 0.000000e+00 : f32
    %broadcast_in_dim3A_10 = vector.broadcast %broadcast_in_dim3A : f32 to vector<1x65xf32>
    %slice3A_11 = vector.extract_strided_slice %concatenate3A {offsets = [0, 0], sizes = [1023, 65], strides = [1, 1]} : vector<1024x65xf32> to vector<1023x65xf32>
    %concatenate3A_12 = tpu.concatenate %broadcast_in_dim3A_10, %slice3A_11 in 0 : vector<1x65xf32>, vector<1023x65xf32> -> vector<1024x65xf32>
    %add3A = arith.addf %concatenate3A, %concatenate3A_12 : vector<1024x65xf32>
    %broadcast_in_dim3A_13 = arith.constant 0.000000e+00 : f32
    %broadcast_in_dim3A_14 = vector.broadcast %broadcast_in_dim3A_13 : f32 to vector<2x65xf32>
    %slice3A_15 = vector.extract_strided_slice %add3A {offsets = [0, 0], sizes = [1022, 65], strides = [1, 1]} : vector<1024x65xf32> to vector<1022x65xf32>
    %concatenate3A_16 = tpu.concatenate %broadcast_in_dim3A_14, %slice3A_15 in 0 : vector<2x65xf32>, vector<1022x65xf32> -> vector<1024x65xf32>
    %add3A_17 = arith.addf %add3A, %concatenate3A_16 : vector<1024x65xf32>
    %broadcast_in_dim3A_18 = arith.constant 0.000000e+00 : f32
    %broadcast_in_dim3A_19 = vector.broadcast %broadcast_in_dim3A_18 : f32 to vector<4x65xf32>
    %slice3A_20 = vector.extract_strided_slice %add3A_17 {offsets = [0, 0], sizes = [1020, 65], strides = [1, 1]} : vector<1024x65xf32> to vector<1020x65xf32>
    %concatenate3A_21 = tpu.concatenate %broadcast_in_dim3A_19, %slice3A_20 in 0 : vector<4x65xf32>, vector<1020x65xf32> -> vector<1024x65xf32>
    %add3A_22 = arith.addf %add3A_17, %concatenate3A_21 : vector<1024x65xf32>
    %broadcast_in_dim3A_23 = arith.constant 0.000000e+00 : f32
    %broadcast_in_dim3A_24 = vector.broadcast %broadcast_in_dim3A_23 : f32 to vector<8x65xf32>
    %slice3A_25 = vector.extract_strided_slice %add3A_22 {offsets = [0, 0], sizes = [1016, 65], strides = [1, 1]} : vector<1024x65xf32> to vector<1016x65xf32>
    %concatenate3A_26 = tpu.concatenate %broadcast_in_dim3A_24, %slice3A_25 in 0 : vector<8x65xf32>, vector<1016x65xf32> -> vector<1024x65xf32>
    %add3A_27 = arith.addf %add3A_22, %concatenate3A_26 : vector<1024x65xf32>
    %broadcast_in_dim3A_28 = arith.constant 0.000000e+00 : f32
    %broadcast_in_dim3A_29 = vector.broadcast %broadcast_in_dim3A_28 : f32 to vector<16x65xf32>
    %slice3A_30 = vector.extract_strided_slice %add3A_27 {offsets = [0, 0], sizes = [1008, 65], strides = [1, 1]} : vector<1024x65xf32> to vector<1008x65xf32>
    %concatenate3A_31 = tpu.concatenate %broadcast_in_dim3A_29, %slice3A_30 in 0 : vector<16x65xf32>, vector<1008x65xf32> -> vector<1024x65xf32>
    %add3A_32 = arith.addf %add3A_27, %concatenate3A_31 : vector<1024x65xf32>
    %broadcast_in_dim3A_33 = arith.constant 0.000000e+00 : f32
    %broadcast_in_dim3A_34 = vector.broadcast %broadcast_in_dim3A_33 : f32 to vector<32x65xf32>
    %slice3A_35 = vector.extract_strided_slice %add3A_32 {offsets = [0, 0], sizes = [992, 65], strides = [1, 1]} : vector<1024x65xf32> to vector<992x65xf32>
    %concatenate3A_36 = tpu.concatenate %broadcast_in_dim3A_34, %slice3A_35 in 0 : vector<32x65xf32>, vector<992x65xf32> -> vector<1024x65xf32>
    %add3A_37 = arith.addf %add3A_32, %concatenate3A_36 : vector<1024x65xf32>
    %broadcast_in_dim3A_38 = arith.constant 0.000000e+00 : f32
    %broadcast_in_dim3A_39 = vector.broadcast %broadcast_in_dim3A_38 : f32 to vector<64x65xf32>
    %slice3A_40 = vector.extract_strided_slice %add3A_37 {offsets = [0, 0], sizes = [960, 65], strides = [1, 1]} : vector<1024x65xf32> to vector<960x65xf32>
    %concatenate3A_41 = tpu.concatenate %broadcast_in_dim3A_39, %slice3A_40 in 0 : vector<64x65xf32>, vector<960x65xf32> -> vector<1024x65xf32>
    %add3A_42 = arith.addf %add3A_37, %concatenate3A_41 : vector<1024x65xf32>
    %broadcast_in_dim3A_43 = arith.constant 0.000000e+00 : f32
    %broadcast_in_dim3A_44 = vector.broadcast %broadcast_in_dim3A_43 : f32 to vector<128x65xf32>
    %slice3A_45 = vector.extract_strided_slice %add3A_42 {offsets = [0, 0], sizes = [896, 65], strides = [1, 1]} : vector<1024x65xf32> to vector<896x65xf32>
    %concatenate3A_46 = tpu.concatenate %broadcast_in_dim3A_44, %slice3A_45 in 0 : vector<128x65xf32>, vector<896x65xf32> -> vector<1024x65xf32>
    %add3A_47 = arith.addf %add3A_42, %concatenate3A_46 : vector<1024x65xf32>
    %broadcast_in_dim3A_48 = arith.constant 0.000000e+00 : f32
    %broadcast_in_dim3A_49 = vector.broadcast %broadcast_in_dim3A_48 : f32 to vector<256x65xf32>
    %slice3A_50 = vector.extract_strided_slice %add3A_47 {offsets = [0, 0], sizes = [768, 65], strides = [1, 1]} : vector<1024x65xf32> to vector<768x65xf32>
    %concatenate3A_51 = tpu.concatenate %broadcast_in_dim3A_49, %slice3A_50 in 0 : vector<256x65xf32>, vector<768x65xf32> -> vector<1024x65xf32>
    %add3A_52 = arith.addf %add3A_47, %concatenate3A_51 : vector<1024x65xf32>
    %broadcast_in_dim3A_53 = arith.constant 0.000000e+00 : f32
    %broadcast_in_dim3A_54 = vector.broadcast %broadcast_in_dim3A_53 : f32 to vector<512x65xf32>
    %slice3A_55 = vector.extract_strided_slice %add3A_52 {offsets = [0, 0], sizes = [512, 65], strides = [1, 1]} : vector<1024x65xf32> to vector<512x65xf32>
    %concatenate3A_56 = tpu.concatenate %broadcast_in_dim3A_54, %slice3A_55 in 0 : vector<512x65xf32>, vector<512x65xf32> -> vector<1024x65xf32>
    %add3A_57 = arith.addf %add3A_52, %concatenate3A_56 : vector<1024x65xf32>
    %sub3A = arith.subf %add3A_57, %concatenate3A : vector<1024x65xf32>
    %swap3A_58 = arith.constant 0 : index
    %swap3A_59 = arith.constant 0 : index
    %swap3A_60 = vector.load %arg3[%swap3A_58, %swap3A_59] : memref<1024x65xf32, #tpu.memory_space<vmem>>, vector<1024x65xf32>
    tpu.vector_store %arg3[%swap3A_58, %swap3A_59], %sub3A {strides = array<i32>} : memref<1024x65xf32, #tpu.memory_space<vmem>>, vector<1024x65xf32>,
    %slice3A_61 = vector.extract_strided_slice %add3A_57 {offsets = [1023, 0], sizes = [1, 65], strides = [1, 1]} : vector<1024x65xf32> to vector<1x65xf32>
    %swap3A_62 = arith.index_cast %arg0 : i32 to index
    %swap3A_63 = arith.constant 0 : index
    %swap3A_64 = vector.load %arg5[%swap3A_62, %swap3A_63] : memref<384x65xf32, #tpu.memory_space<vmem>>, vector<1x65xf32>
    tpu.vector_store %arg5[%swap3A_62, %swap3A_63], %slice3A_61 {strides = array<i32>} : memref<384x65xf32, #tpu.memory_space<vmem>>, vector<1x65xf32>,
    return
  }
  func.func @transform_0(%arg0: i32) -> (i32, i32) {
    %c0_i32 = arith.constant 0 : i32
    %c0_i32_0 = arith.constant 0 : i32
    return %arg0, %c0_i32 : i32, i32
  }
  func.func @transform_1(%arg0: i32) -> (i32, i32) {
    %c0_i32 = arith.constant 0 : i32
    %c0_i32_0 = arith.constant 0 : i32
    %c0_i32_1 = arith.constant 0 : i32
    return %c0_i32, %c0_i32_0 : i32, i32
  }
  func.func @transform_2(%arg0: i32) -> (i32, i32) {
    %c0_i32 = arith.constant 0 : i32
    %c0_i32_0 = arith.constant 0 : i32
    return %arg0, %c0_i32 : i32, i32
  }
  func.func @transform_3(%arg0: i32) -> (i32, i32) {
    %c0_i32 = arith.constant 0 : i32
    %c0_i32_0 = arith.constant 0 : i32
    return %arg0, %c0_i32 : i32, i32
  }
  func.func @transform_4(%arg0: i32) -> (i32, i32) {
    %c0_i32 = arith.constant 0 : i32
    %c0_i32_0 = arith.constant 0 : i32
    %c0_i32_1 = arith.constant 0 : i32
    return %c0_i32, %c0_i32_0 : i32, i32
  }
}

module attributes {stable_mosaic.version = 14 : i64} {
  func.func @_px_kernel(%arg0: i32, %arg1: memref<1024x64xf32, #tpu.memory_space<vmem>>, %arg2: memref<64x64xf32, #tpu.memory_space<vmem>>, %arg3: memref<1x64xf32, #tpu.memory_space<vmem>>, %arg4: memref<1024x64xf32, #tpu.memory_space<vmem>>) attributes {dimension_semantics = [#tpu.dimension_semantics<arbitrary>], iteration_bounds = array<i64: 48>, scalar_prefetch = 0 : i64, scratch_operands = 0 : i64, tpu.core_type = #tpu.core_type<tc>, window_params = [{transform_indices = @transform_0, window_bounds = array<i64: 1024, 64>}, {pipeline_mode = #tpu.pipeline_mode<synchronous>, transform_indices = @transform_1, window_bounds = array<i64: 64, 64>}, {pipeline_mode = #tpu.pipeline_mode<synchronous>, transform_indices = @transform_2, window_bounds = array<i64: 1, 64>}, {transform_indices = @transform_3, window_bounds = array<i64: 1024, 64>}]} {
    %get3A = arith.constant 0 : index
    %get3A_0 = arith.constant 0 : index
    %get3A_1 = vector.load %arg1[%get3A, %get3A_0] : memref<1024x64xf32, #tpu.memory_space<vmem>>, vector<1024x64xf32>
    %get3A_2 = arith.constant 0 : index
    %get3A_3 = arith.constant 0 : index
    %get3A_4 = vector.load %arg2[%get3A_2, %get3A_3] : memref<64x64xf32, #tpu.memory_space<vmem>>, vector<64x64xf32>
    %dot_general3A = arith.constant dense<0.000000e+00> : vector<1024x64xf32>
    %dot_general3A_5 = tpu.matmul %get3A_1, %get3A_4, %dot_general3A {dimension_numbers = #tpu.dot_dimension_numbers<[1], [0], [0], [1], [0, 0, 1, 1], [], []>, transpose_lhs_hint = false} : vector<1024x64xf32>, vector<64x64xf32>, vector<1024x64xf32> -> vector<1024x64xf32>
    %get3A_6 = arith.constant 0 : index
    %get3A_7 = arith.constant 0 : index
    %get3A_8 = vector.load %arg3[%get3A_6, %get3A_7] : memref<1x64xf32, #tpu.memory_space<vmem>>, vector<1x64xf32>
    %add3A = vector.broadcast %get3A_8 : vector<1x64xf32> to vector<1024x64xf32>
    %add3A_9 = arith.addf %dot_general3A_5, %add3A : vector<1024x64xf32>
    %swap3A = arith.constant 0 : index
    %swap3A_10 = arith.constant 0 : index
    %swap3A_11 = vector.load %arg4[%swap3A, %swap3A_10] : memref<1024x64xf32, #tpu.memory_space<vmem>>, vector<1024x64xf32>
    tpu.vector_store %arg4[%swap3A, %swap3A_10], %add3A_9 {strides = array<i32>} : memref<1024x64xf32, #tpu.memory_space<vmem>>, vector<1024x64xf32>,
    return
  }
  func.func @transform_0(%arg0: i32) -> (i32, i32) {
    %c0_i32 = arith.constant 0 : i32
    %c0_i32_0 = arith.constant 0 : i32
    return %arg0, %c0_i32 : i32, i32
  }
  func.func @transform_1(%arg0: i32) -> (i32, i32) {
    %c0_i32 = arith.constant 0 : i32
    %c0_i32_0 = arith.constant 0 : i32
    %c0_i32_1 = arith.constant 0 : i32
    return %c0_i32, %c0_i32_0 : i32, i32
  }
  func.func @transform_2(%arg0: i32) -> (i32, i32) {
    %c0_i32 = arith.constant 0 : i32
    %c0_i32_0 = arith.constant 0 : i32
    %c0_i32_1 = arith.constant 0 : i32
    return %c0_i32, %c0_i32_0 : i32, i32
  }
  func.func @transform_3(%arg0: i32) -> (i32, i32) {
    %c0_i32 = arith.constant 0 : i32
    %c0_i32_0 = arith.constant 0 : i32
    return %arg0, %c0_i32 : i32, i32
  }
}

</mosaic_0001>

<sc_bundles>
// kernel: gather_offload_async_start.1
scs
__scs_entry_jumppad:
0x0: {  	(pc) =	sbr.rel $0x88, $3  }
0x1: {  	(tag) =	ssettag $0x0;
	lr =	simm.s32 $0x1  }
0x2: {  	[smem:$0x3F9A] =	sst lr;
	_ =	strace $0xD0000000  }
0x3: {  	_ = 	snop  }
0x4: {  	_ = 	snop  }
0x5: {  	_ = 	snop  }
0x6: {  	_ = 	snop  }
0x7: {  	_ = 	snop  }
__scs_overlays_trampoline_lowered:
0x8: {  	[smem:$0x3FA9] =	sst s0  }
0x9: {  	[smem:$0x3FAA] =	sst s1  }
0xa: {  	[smem:$0x3FAB] =	sst s2  }
0xb: {  	[smem:$0x3FAC] =	sst s3  }
0xc: {  	[smem:$0x3FAD] =	sst s4  }
0xd: {  	[smem:$0x3FAE] =	sst s5  }
0xe: {  	[smem:$0x3FAF] =	sst s6  }
0xf: {  	[smem:$0x3FB0] =	sst s7  }
0x10: {  	[smem:$0x3FB1] =	sst s8  }
0x11: {  	[smem:$0x3FB2] =	sst s9;
	s0 =	simm.s32 @!p0 $0x0  }
0x12: {  	s1 =	sld [smem:$0x3F98];
	s0 =	simm.s32 @p0 $0x1  }
0x13: {  	[smem:$0x3FB3] =	sst s0;
	s0 =	simm.s32 @!p1 $0x0  }
0x14: {  	s2 =	sld [smem:$0x3F97];
	s0 =	simm.s32 @p1 $0x1  }
0x15: {  	[smem:$0x3FB4] =	sst s0;
	s0 =	simm.s32 @!p2 $0x0  }
0x16: {  	s3 =	sld [smem:$0x3FDB];
	s0 =	simm.s32 @p2 $0x1  }
0x17: {  	s4 =	simm.s32 $0x1BF5;
	[smem:$0x3FB6] =	sst s0  }
0x18: {  	s0 =	sld [smem:$0x3F99];
	_ =	swait.ge [sflag:s4], $0x0  }
0x19: {  	s7 =	sld [smem:$0x3F9A]  }
0x1a: {  	s8 =	sadd.s32 $0xFFFFE003, lr  }
0x1b: {  	s9 =	sadd.s32 $0xFFFFFEF7, lr;
	s5 =	simm.s32 $0xFFFFFFFF;
	p2 =	slt.u32 s8, $0xFFFFF086  }
0x1c: {  	p1 =	slt.u32 s9, $0xF7A;
	s5 =	simm.s32 @!p2 $0x0  }
0x1d: {  	s5 =	simm.s32 @p1 $0x1;
	p0 =	seq.s32 s7, s2  }
0x1e: {  	s7 =	smul.u32 @!p0 $0xF7A, s2;
	p2 =	seq.s32 @!p0 s5, $0x0  }
0x1f: {  	s9 =	smul.u32 $0xF7A, s1;
	s8 =	simm.s32 @!p0 $0x1BF5;
	p2 =	por !p2, p0  }
0x20: {  	[sflag:s8] =	ssyncset.s32 @!p0 $0xFFFFF086;
	s6 =	sadd.s32 @!p0 s3, s7;
	s7 =	simm.s32 @!p0 $0x108  }
0x21: {  	s3 =	sadd.s32 s3, s9;
	s6 =	sadd.s32 @!p0 $0x88, s6;
	s7 =	simm.s32 @p2 $0x1082  }
0x22: {  	[simem:s7], [sflag:s8] =	dma.local @!p0 [hbm:s6], $0xF7A  }
0x23: {  	s9 =	sor.u32 $0xD0000000, s2;
	s6 =	simm.s32 $0x108;
	_ =	swait.ge @!p0 [sflag:s8], $0x0  }
0x24: {  	s3 =	sadd.s32 $0x88, s3;
	s6 =	simm.s32 @!p1 $0x1082;
	[sflag:s4] =	ssyncset.s32 $0xFFFFF086  }
0x25: {  	[simem:s6], [sflag:s4] =	dma.local [hbm:s3], $0xF7A  }
0x26: {  	[smem:$0x3F9A] =	sst s1;
	(tag) =	ssettag s2;
	_ =	strace s9  }
0x27: {  	s1 =	sld [smem:$0x3FAA]  }
0x28: {  	s2 =	sld [smem:$0x3FAB]  }
0x29: {  	s4 =	sld [smem:$0x3FAD]  }
0x2a: {  	p0 =	seq.s32 s5, $0x0;
	s5 =	sld [smem:$0x3FAE]  }
0x2b: {  	s6 =	sld [smem:$0x3FAF]  }
0x2c: {  	s7 =	sld [smem:$0x3FB0]  }
0x2d: {  	s3 =	simm.s32 $0x108;
	s8 =	sld [smem:$0x3FB1]  }
0x2e: {  	s3 =	simm.s32 @!p0 $0x1082;
	s9 =	sld [smem:$0x3FB2]  }
0x2f: {  	lr =	sadd.s32 s0, s3;
	s0 =	sld [smem:$0x3FA9]  }
0x30: {  	s3 =	sld [smem:$0x3FAC]  }
0x31: {  	[smem:$0x3FB5] =	sst s10  }
0x32: {  	s10 =	sld [smem:$0x3FB3];
	_ =	sdelay $0x3  }
0x33: {  	p0 =	seq.s32 s10, $0x1;
	s10 =	sld [smem:$0x3FB5];
	_ =	sdelay $0x3  }
0x34: {  	[smem:$0x3FB5] =	sst s10  }
0x35: {  	s10 =	sld [smem:$0x3FB4];
	_ =	sdelay $0x3  }
0x36: {  	p1 =	seq.s32 s10, $0x1;
	s10 =	sld [smem:$0x3FB5];
	_ =	sdelay $0x3  }
0x37: {  	[smem:$0x3FB5] =	sst s10  }
0x38: {  	s10 =	sld [smem:$0x3FB6]  }
0x39: {  	_ = 	snop;
	(pc) =	sbr.ind lr, $3  }
0x3a: {  	_ = 	snop  }
0x3b: {  	_ = 	snop  }
0x3c: {  	p2 =	seq.s32 s10, $0x1;
	s10 =	sld [smem:$0x3FB5]  }
0x3d: {  	_ =	shalt  }
0x3e: {  	_ =	shalt  }
0x3f: {  	_ =	shalt  }
0x40: {  	_ =	shalt  }
0x41: {  	_ =	shalt  }
0x42: {  	_ =	shalt  }
0x43: {  	_ =	shalt  }
0x44: {  	_ =	shalt  }
0x45: {  	_ =	shalt  }
0x46: {  	_ =	shalt  }
0x47: {  	_ =	shalt  }
0x48: {  	_ =	shalt  }
0x49: {  	_ =	shalt  }
0x4a: {  	_ =	shalt  }
0x4b: {  	_ =	shalt  }
0x4c: {  	_ =	shalt  }
0x4d: {  	_ =	shalt  }
0x4e: {  	_ =	shalt  }
0x4f: {  	_ =	shalt  }
0x50: {  	_ =	shalt  }
0x51: {  	_ =	shalt  }
0x52: {  	_ =	shalt  }
0x53: {  	_ =	shalt  }
0x54: {  	_ =	shalt  }
0x55: {  	_ =	shalt  }
0x56: {  	_ =	shalt  }
0x57: {  	_ =	shalt  }
0x58: {  	_ =	shalt  }
0x59: {  	_ =	shalt  }
0x5a: {  	_ =	shalt  }
0x5b: {  	_ =	shalt  }
0x5c: {  	_ =	shalt  }
0x5d: {  	_ =	shalt  }
0x5e: {  	_ =	shalt  }
0x5f: {  	_ =	shalt  }
0x60: {  	_ =	shalt  }
0x61: {  	_ =	shalt  }
0x62: {  	_ =	shalt  }
0x63: {  	_ =	shalt  }
0x64: {  	_ =	shalt  }
0x65: {  	_ =	shalt  }
0x66: {  	_ =	shalt  }
0x67: {  	_ =	shalt  }
0x68: {  	_ =	shalt  }
0x69: {  	_ =	shalt  }
0x6a: {  	_ =	shalt  }
0x6b: {  	_ =	shalt  }
0x6c: {  	_ =	shalt  }
0x6d: {  	_ =	shalt  }
0x6e: {  	_ =	shalt  }
0x6f: {  	_ =	shalt  }
0x70: {  	_ =	shalt  }
0x71: {  	_ =	shalt  }
0x72: {  	_ =	shalt  }
0x73: {  	_ =	shalt  }
0x74: {  	_ =	shalt  }
0x75: {  	_ =	shalt  }
0x76: {  	_ =	shalt  }
0x77: {  	_ =	shalt  }
0x78: {  	_ =	shalt  }
0x79: {  	_ =	shalt  }
0x7a: {  	_ =	shalt  }
0x7b: {  	_ =	shalt  }
0x7c: {  	_ =	shalt  }
0x7d: {  	_ =	shalt  }
0x7e: {  	_ =	shalt  }
0x7f: {  	_ =	shalt  }
0x80: {  	_ =	shalt  }
0x81: {  	_ =	shalt  }
0x82: {  	_ =	shalt  }
0x83: {  	_ =	shalt  }
0x84: {  	_ =	shalt  }
0x85: {  	_ =	shalt  }
0x86: {  	_ =	shalt  }
0x87: {  	_ =	shalt  }
.Lfunc_end0:
.L_simem_size_0:
called_computation.5_lowered:
.L_overlay_start_0:
0x88: {  	s2 =	sld [smem:$0x3FD9]  }
0x89: {  	s3 =	sld [smem:$0x3FFE];
	_ =	sdelay $0x1  }
0x8a: {  	s1 =	srdreg.scid  }
0x8b: {  	s0 =	sand.u32 $0x1, s1  }
0x8c: {  	s17 =	sshll.u32 s0, $0xA;
	s2 =	sadd.s32 s3, s2  }
0x8d: {  	s2 =	sadd.s32 s2, s17  }
0x8e: {  	[smem:$0x3FC1] =	sst s2  }
0x8f: {  	_ = 	snop  }
0x90: {  	(tm) =	ssettm $0x1  }
0x91: {  	s18 =	sld [smem:$0x3FFB];
	_ =	sdelay $0x3  }
0x92: {  	_ =	strace s18  }
0x93: {  	s2 =	sld [smem:$0x3FFC];
	_ =	sdelay $0x3  }
0x94: {  	_ =	strace s2  }
0x95: {  	s2 =	sld [smem:$0x3FFD];
	_ =	sdelay $0x3  }
0x96: {  	_ =	strace s2  }
0x97: {  	_ =	strace $0x8FFFFFFF  }
0x98: {  	s19 =	sld [smem:$0x3FDB];
	_ =	sdelay $0x1  }
0x99: {  	s20 =	simm.s32 $_scs_section_size  }
0x9a: {  	s4 =	simm.s32 $_size__tile_overlayer_lowered;
	s5 =	simm.s32 $_tile_overlayer_lowered  }
0x9b: {  	s6 =	simm.s32 $0x1BFF;
	s21 =	sshll.u32 s5, $0x1;
	s3 =	sadd.s32 s20, s19  }
0x9c: {  	s22 =	simm.s32 $0x0;
	s4 =	sshll.u32 s4, $0x1;
	s5 =	sadd.s32 s21, s3  }
0x9d: {  	[timem:s22], [sflag:s6] =	dma.local [hbm:s5], s4  }
0x9e: {  	_ =	swait.ge [sflag:s6], s4  }
0x9f: {  	s4 =	ssub.s32 $0x0, s4;
	[sflag:s6] =	ssyncset.done $0x0  }
0xa0: {  	[sflag:s6] =	ssyncadd.s32 s4;
	_ =	sdelay $0x1  }
0xa1: {  	s23 =	simm.s32 $0x1B8B  }
0xa2: {  	_ =	swait.ge [sflag:s23], $0x1  }
0xa3: {  	[sflag:s23] =	ssyncset.done $0x0  }
0xa4: {  	[sflag:s23] =	ssyncadd.s32 $0xFFFFFFFF  }
0xa5: {  	s4 =	sld [smem:$0x0]  }
0xa6: {  	s5 =	sand.u32 $0xFFFFFFFE, s1  }
0xa7: {  	p0 =	sne.s32 s1, s5  }
0xa8: {  	s5 =	sshll.u32 @p0 s5, $0xE  }
0xa9: {  	s5 =	sadd.s32 @p0 $0x11B8D, s5;
	s6 =	sshll.u32 @p0 s4, $0x11  }
0xaa: {  	s5 =	sor.u32 @p0 s6, s5  }
0xab: {  	[sflag:s5] =	ssyncadd.remote.s32 @p0 $0x1;
	_ =	sdelay $0x1  }
0xac: {  	s5 =	simm.s32 @p0 $0x1B8D  }
0xad: {  	_ =	swait.eq @p0 [sflag:s5], $0x1  }
0xae: {  	[sflag:s5] =	ssyncadd.s32 @p0 $0xFFFFFFFF  }
0xaf: {  	s6 =	sshll.u32 @!p0 s1, $0xE  }
0xb0: {  	s6 =	sor.u32 @!p0 $0x4000, s6;
	s5 =	simm.s32 @!p0 $0x1B8D  }
0xb1: {  	s4 =	sshll.u32 @!p0 s4, $0x11;
	s6 =	sadd.s32 @!p0 $0x11B8D, s6;
	_ =	swait.eq @!p0 [sflag:s5], $0x1  }
0xb2: {  	s4 =	sor.u32 @!p0 s4, s6;
	[sflag:s5] =	ssyncadd.s32 @!p0 $0xFFFFFFFF  }
0xb3: {  	s25 =	simm.s32 $0x1B8E;
	s24 =	sld [smem:$0x3FFE];
	[sflag:s4] =	ssyncadd.remote.s32 @!p0 $0x1  }
0xb4: {  	s26 =	simm.s32 $execute0_lowered;
	[smem:$0x3FD2] =	sst s25  }
0xb5: {  	s5 =	sshll.u32 s26, $0x1;
	_ =	strace $0x8000004C;
	[dreg:$0x1] =	wrdreg $0xFFFFFFFF  }
0xb6: {  	s28 =	simm.s32 $_size_execute0_lowered;
	s3 =	sadd.s32 s3, s5;
	[dreg:$0x0] =	wrdreg $0x0  }
0xb7: {  	s5 =	sshll.u32 s28, $0x1;
	[dreg:$0x2] =	wrdreg s3  }
0xb8: {  	[dreg:$0x3] =	wrdreg s5  }
0xb9: {  	[dreg:$0x4] =	wrdreg $0xC0  }
0xba: {  	_ =	task [dreg:s22], $0x5FFFF  }
0xbb: {  	[dreg:$0x1] =	wrdreg $0xFFFFFFFF  }
0xbc: {  	[dreg:$0x0] =	wrdreg $0x60  }
0xbd: {  	[dreg:$0x2] =	wrdreg s24  }
0xbe: {  	[dreg:$0x3] =	wrdreg $0xA  }
0xbf: {  	_ =	task.clear_ibuf [dreg:s22], $0x4FFFF;
	_ =	strace $0x9000004C  }
0xc0: {  	s29 =	simm.s32 $0xA;
	_ =	strace $0x8000004E  }
0xc1: {  	_ =	swait.ge [sflag:s29], $0x1  }
0xc2: {  	[sflag:s29] =	ssyncadd.s32 $0xFFFFFFFF  }
0xc3: {  	_ =	strace $0x9000004E  }
0xc4: {  	_ =	sfence  }
0xc5: {  	s30 =	sld [smem:$0x0];
	_ =	sdelay $0x2  }
0xc6: {  	s31 =	sshll.u32 s1, $0xD;
	s1 =	sshrl.u32 s1, $0x2  }
0xc7: {  	s4 =	sand.u32 $0x4000, s31;
	s1 =	sadd.s32 s1, s30  }
0xc8: {  	s0 =	sor.u32 s4, s0;
	s1 =	sshll.u32 s1, $0x11  }
0xc9: {  	s0 =	sor.u32 s1, s0  }
0xca: {  	s0 =	sadd.s32 $0x8F2B, s0  }
0xcb: {  	[sflag:s0] =	ssyncadd.remote.s32 $0x1  }
0xcc: {  	_ =	sfence.sel $0xFFFF  }
0xcd: {  	[dreg:$0x0] =	wrdreg $0xFFFFFFFF;
	(pc) =	sbr.abs _section_cstart, $3  }
0xce: {  	[dreg:$0x1] =	wrdreg $0xFFFFFFFF  }
0xcf: {  	_ =	task.clear_ibuf [dreg:s22], $0x2FFFF;
	_ =	strace $0x9FFFFFFF  }
0xd0: {  	(tm) =	ssettm $0x7FFFFFFF  }
0xd1: {  	_ =	shalt  }
tec
execute0_lowered:
.L_overlay_start_1:
0x0: {  	(tag) =	ssettag $0x1  }
0x1: {  	s7 =	rddreg [dreg:$0x0]  }
0x2: {  	s1 =	srdreg.scid;
	s0 =	rddreg [dreg:$0x1]  }
0x3: {  	_ =	strace $0x8000004D;
	s3 =	simm.s32 $0x1;
	s5 =	simm.s32 $0x2  }
0x4: {  	s9 =	simm.s32 $0x3;
	s11 =	simm.s32 $0x0;
	s2 =	sshll.u32 s1, $0x4  }
.Ltmp0:
0x5: {  	s1 =	stileid.u32;
	s4 =	sand.u32 $0x10, s2;
	(pc) =	sbr.rel .LBB2_1-.Ltmp0, $4  }
0x6: {  	p0 =	por $0x0, $0x0;
	[sflag:s3] =	ssyncpa.u1 $0x0;
	s4 =	sor.u32 s1, s4  }
0x7: {  	s6 =	sadd.s32 $0x1800, s7;
	[sflag:s5] =	ssyncpa.u1 $0x0;
	s4 =	smul.u32 $0x600, s4  }
0x8: {  	s2 =	sadd.s32 $0x1216C00, s7;
	s7 =	sadd.s32 $0xDC800, s7;
	[sflag:s9] =	ssyncpa.u1 $0x0  }
0x9: {  	vm0 =	vmmov $0xff;
	vm1 =	vcmask $0x3F20;
	s9 =	simm.s32 $0x0;
	s8 =	sadd.s32 $0x600, s4;
	s10 =	smov.u32 s4  }
.LBB2_6:
0xa: {  	[hbm:s15] =	stream.linear.scatter [tilespmem:s12], [sflag:$0x3], $0x400, $0x38;
	[tilespmem:$0x18300] =	vst v63  }
.LBB2_7:
0xb: {  	p1 =	slt.u32 s9, $0x2;
	s11 =	sadd.s32 $0x180, s10  }
0xc: {  	s13 =	smov.u32 s4;
	s9 =	sadd.s32 $0x1, s9;
	p2 =	slt.s32 s11, s8  }
0xd: {  	s13 =	smov.u32 @p2 s11;
	p2 =	sne.s32 s9, $0x6  }
.Ltmp1:
0xe: {  	_ = 	snop;
	(pc) =	sbr.rel @!p2 .LBB2_8-.Ltmp1, $4  }
0xf: {  	s12 =	simm.s32 @!p1 $0x3  }
0x10: {  	_ =	swait.ge @!p1 [sflag:s12], $0xC000  }
0x11: {  	p0 =	por !p0, !p0;
	[sflag:s12] =	ssyncset.done @!p1 $0x0  }
0x12: {  	s11 =	smov.u32 s10;
	s10 =	smov.u32 s13;
	[sflag:s12] =	ssyncadd.s32 @!p1 $0xFFFF4000  }
.LBB2_1:
0x13: {  	p1 =	sgt.u32 s9, $0x3  }
0x14: {  	s12 =	sxor.u32 @!p1 $0xFFFFFFFF, s9  }
0x15: {  	s12 =	sand.u32 @!p1 $0x1, s12  }
0x16: {  	s12 =	smul.u32 @!p1 $0x600, s12  }
0x17: {  	s31 =	sadd.s32 $0xFFFFFFFF, s9;
	s13 =	sshrl.u32 @!p1 s10, $0x3  }
0x18: {  	s14 =	sand.u32 @!p1 $0x7, s10;
	s13 =	sadd.s32 @!p1 s6, s13;
	s12 =	sshrl.u32 @!p1 s12, $0x2  }
0x19: {  	[tilespmem:s12], [sflag:$0x2] =	stream.linear.gather @!p1 [hbm4b:s13+s14], $0x180, $0x38;
	[tilespmem:$0x18300] =	vst v63  }
0x1a: {  	p1 =	sgt.u32 s31, $0x3  }
.Ltmp2:
0x1b: {  	_ = 	snop;
	(pc) =	sbr.rel @p1 .LBB2_7-.Ltmp2, $1  }
0x1c: {  	_ =	sdelay $0x3  }
0x1d: {  	s12 =	simm.s32 $0x1  }
0x1e: {  	s12 =	simm.s32 @!p0 $0x0  }
0x1f: {  	s13 =	smul.u32 $0x600, s12  }
0x20: {  	_ =	swait.ge [sflag:s5], $0x180  }
0x21: {  	[sflag:s5] =	ssyncset.done $0x0;
	s14 =	sshrl.u32 s13, $0x2  }
0x22: {  	[sflag:s5] =	ssyncadd.s32 $0xFFFFFE80;
	s13 =	sadd.s32 $0x0, s14  }
0x23: {  	v0 =	vld.msk [tilespmem:s13+$0x0 ss:$0x1], $0xffff;
	_ =	sdelay $0x4  }
0x24: {  	vm2 =	vgt.s32 v0, $0x0  }
0x25: {  	v0 =	vnsel vm2, $0x0, v0  }
0x26: {  	v0 =	vmin.u32 v0, $0x60000  }
0x27: {  	v0 =	vshll.u32 v0, $0x4  }
0x28: {  	s12 =	smul.u32 $0x30000, s12;
	_ =	sdelay $0x1  }
0x29: {  	s12 =	sshrl.u32 s12, $0x2  }
0x2a: {  	s12 =	sor.u32 $0x300, s12  }
0x2b: {  	[tilespmem:s12], [sflag:$0x1] =	stream.indirect_vreg.gather [hbm:s2], $0x80, v0, vm0, $0x38;
	[tilespmem:$0x18300] =	vst v63  }
0x2c: {  	s15 =	sadd.s32 $0x10, s14;
	s13 =	sadd.s32 $0x400, s12  }
0x2d: {  	[tilespmem:s13], [sflag:$0x1] =	stream.indirect_vreg.gather [hbm:s2], $0x80, v0, vm1, $0x38;
	[tilespmem:$0x18300] =	vst v63  }
0x2e: {  	s16 =	simm.s32 $0x80;
	v0 =	vld.msk [tilespmem:s15+$0x0 ss:$0x1], $0xffff;
	s15 =	smov.u32 s12  }
.LBB2_3:
0x2f: {  	p1 =	sne.s32 s16, $0x5C0;
	_ =	sdelay $0x4  }
0x30: {  	vm2 =	vgt.s32 v0, $0x0  }
0x31: {  	v0 =	vnsel vm2, $0x0, v0  }
0x32: {  	v0 =	vmin.u32 v0, $0x60000  }
0x33: {  	v0 =	vshll.u32 v0, $0x4;
	_ =	sdelay $0x3  }
.Ltmp3:
0x34: {  	s17 =	sshra.s32 s16, $0x2;
	s15 =	sadd.s32 $0x800, s15;
	(pc) =	sbr.rel @p1 .LBB2_3-.Ltmp3, $4  }
0x35: {  	[tilespmem:s15], [sflag:$0x1] =	stream.indirect_vreg.gather [hbm:s2], $0x80, v0, vm0, $0x38;
	[tilespmem:$0x18300] =	vst v63  }
0x36: {  	s17 =	sadd.s32 s17, s14;
	s18 =	sadd.s32 $0x400, s15  }
0x37: {  	[tilespmem:s18], [sflag:$0x1] =	stream.indirect_vreg.gather [hbm:s2], $0x80, v0, vm1, $0x38;
	[tilespmem:$0x18300] =	vst v63  }
0x38: {  	s16 =	sadd.s32 $0x40, s16;
	v0 =	vld.msk [tilespmem:s17+$0x0 ss:$0x1], $0xffff  }
0x39: {  	_ =	sdelay $0x3  }
0x3a: {  	vm2 =	vgt.s32 v0, $0x0  }
0x3b: {  	v0 =	vnsel vm2, $0x0, v0  }
0x3c: {  	v0 =	vmin.u32 v0, $0x60000  }
0x3d: {  	v0 =	vshll.u32 v0, $0x4;
	_ =	sdelay $0x3  }
0x3e: {  	s14 =	sadd.s32 $0x800, s15  }
0x3f: {  	[tilespmem:s14], [sflag:$0x1] =	stream.indirect_vreg.gather [hbm:s2], $0x80, v0, vm0, $0x38;
	[tilespmem:$0x18300] =	vst v63  }
0x40: {  	s14 =	sadd.s32 $0x400, s14  }
0x41: {  	[tilespmem:s14], [sflag:$0x1] =	stream.indirect_vreg.gather [hbm:s2], $0x80, v0, vm1, $0x38;
	[tilespmem:$0x18300] =	vst v63  }
0x42: {  	s11 =	sshll.u32 s11, $0x4;
	_ =	swait.ge [sflag:s3], $0xC000  }
0x43: {  	s11 =	sadd.s32 s11, s7;
	[sflag:s3] =	ssyncset.done $0x0  }
0x44: {  	s15 =	sadd.s32 $0x0, s11;
	s14 =	simm.s32 $0x80;
	[sflag:s3] =	ssyncadd.s32 $0xFFFF4000  }
.LBB2_5:
0x45: {  	[hbm:s15] =	stream.linear.scatter [tilespmem:s12], [sflag:$0x3], $0x400, $0x38;
	[tilespmem:$0x18300] =	vst v63  }
0x46: {  	s15 =	smov.u32 s14;
	s12 =	smov.u32 s13;
	p1 =	sne.s32 s14, $0x1780  }
.Ltmp4:
0x47: {  	s14 =	sadd.s32 $0x80, s14;
	(pc) =	sbr.rel @p1 .LBB2_5-.Ltmp4, $2  }
0x48: {  	_ =	sdelay $0x2  }
0x49: {  	s13 =	sadd.s32 $0x400, s13;
	s15 =	sadd.s32 s15, s11  }
.Ltmp5:
0x4a: {  	_ = 	snop;
	(pc) =	sbr.rel .LBB2_6-.Ltmp5, $1  }
0x4b: {  	_ =	sdelay $0x3  }
.LBB2_8:
0x4c: {  	_ =	sfence.sel $0x180000  }
0x4d: {  	s2 =	simm.s32 $0x2;
	[bflag:$0x0] =	sbarrier.arrive $0xFFFF  }
0x4e: {  	s30 =	simm.s32 $0x3;
	[sflag:s2] =	ssyncpa.u1 $0x1  }
0x4f: {  	s31 =	simm.s32 $0x1;
	[sflag:s30] =	ssyncpa.u1 $0x1  }
0x50: {  	[sflag:s31] =	ssyncpa.u1 $0x1  }
0x51: {  	p0 =	sne.s32 s1, $0x0;
	_ =	strace $0x9000004D  }
0x52: {  	s0 =	sadd.s32 @!p0 $0x100000, s0;
	[bflag:$0x2] =	sbarrier.arrive $0xFFFF  }
0x53: {  	[sflag:s0] =	ssyncadd.tile.s32 @!p0 $0x1;
	_ =	shalt  }
.Lfunc_end2:
_tile_overlayer_lowered:
.L_overlay_start_2:
0x54: {  	(tag) =	ssettag $0x2  }
0x55: {  	s0 =	rddreg [dreg:$0x0];
	s2 =	stileid.u32  }
0x56: {  	s1 =	rddreg [dreg:$0x1];
	p0 =	sne.s32 s2, $0x0  }
0x57: {  	s3 =	rddreg [dreg:$0x2];
	[bflag:$0x3] =	sbarrier.arrive $0xFFFF;
	s2 =	simm.s32 @!p0 $0x1C01  }
0x58: {  	[timem:s3], [sflag:s2] =	dma.local @!p0 [hbm:s0], s1  }
0x59: {  	s0 =	simm.s32 @!p0 $0x1  }
0x5a: {  	_ =	swait.ge @!p0 [sflag:s0], s1  }
0x5b: {  	s1 =	ssub.s32 @!p0 $0x0, s1;
	[sflag:s0] =	ssyncset.done @!p0 $0x0  }
0x5c: {  	[sflag:s0] =	ssyncadd.s32 @!p0 s1  }
0x5d: {  	[bflag:$0x3] =	sbarrier.arrive $0xFFFF  }
0x5e: {  	_ =	shalt  }

// kernel: gather_offload_async_start.2
scs
__scs_entry_jumppad:
0x0: {  	(pc) =	sbr.rel $0x88, $3  }
0x1: {  	(tag) =	ssettag $0x0;
	lr =	simm.s32 $0x1  }
0x2: {  	[smem:$0x3F9A] =	sst lr;
	_ =	strace $0xD0000000  }
0x3: {  	_ = 	snop  }
0x4: {  	_ = 	snop  }
0x5: {  	_ = 	snop  }
0x6: {  	_ = 	snop  }
0x7: {  	_ = 	snop  }
__scs_overlays_trampoline_lowered:
0x8: {  	[smem:$0x3FA9] =	sst s0  }
0x9: {  	[smem:$0x3FAA] =	sst s1  }
0xa: {  	[smem:$0x3FAB] =	sst s2  }
0xb: {  	[smem:$0x3FAC] =	sst s3  }
0xc: {  	[smem:$0x3FAD] =	sst s4  }
0xd: {  	[smem:$0x3FAE] =	sst s5  }
0xe: {  	[smem:$0x3FAF] =	sst s6  }
0xf: {  	[smem:$0x3FB0] =	sst s7  }
0x10: {  	[smem:$0x3FB1] =	sst s8  }
0x11: {  	[smem:$0x3FB2] =	sst s9;
	s0 =	simm.s32 @!p0 $0x0  }
0x12: {  	s1 =	sld [smem:$0x3F98];
	s0 =	simm.s32 @p0 $0x1  }
0x13: {  	[smem:$0x3FB3] =	sst s0;
	s0 =	simm.s32 @!p1 $0x0  }
0x14: {  	s2 =	sld [smem:$0x3F97];
	s0 =	simm.s32 @p1 $0x1  }
0x15: {  	[smem:$0x3FB4] =	sst s0;
	s0 =	simm.s32 @!p2 $0x0  }
0x16: {  	s3 =	sld [smem:$0x3FDB];
	s0 =	simm.s32 @p2 $0x1  }
0x17: {  	s4 =	simm.s32 $0x1BF5;
	[smem:$0x3FB6] =	sst s0  }
0x18: {  	s0 =	sld [smem:$0x3F99];
	_ =	swait.ge [sflag:s4], $0x0  }
0x19: {  	s7 =	sld [smem:$0x3F9A]  }
0x1a: {  	s8 =	sadd.s32 $0xFFFFE003, lr  }
0x1b: {  	s9 =	sadd.s32 $0xFFFFFEF7, lr;
	s5 =	simm.s32 $0xFFFFFFFF;
	p2 =	slt.u32 s8, $0xFFFFF086  }
0x1c: {  	p1 =	slt.u32 s9, $0xF7A;
	s5 =	simm.s32 @!p2 $0x0  }
0x1d: {  	s5 =	simm.s32 @p1 $0x1;
	p0 =	seq.s32 s7, s2  }
0x1e: {  	s7 =	smul.u32 @!p0 $0xF7A, s2;
	p2 =	seq.s32 @!p0 s5, $0x0  }
0x1f: {  	s9 =	smul.u32 $0xF7A, s1;
	s8 =	simm.s32 @!p0 $0x1BF5;
	p2 =	por !p2, p0  }
0x20: {  	[sflag:s8] =	ssyncset.s32 @!p0 $0xFFFFF086;
	s6 =	sadd.s32 @!p0 s3, s7;
	s7 =	simm.s32 @!p0 $0x108  }
0x21: {  	s3 =	sadd.s32 s3, s9;
	s6 =	sadd.s32 @!p0 $0x88, s6;
	s7 =	simm.s32 @p2 $0x1082  }
0x22: {  	[simem:s7], [sflag:s8] =	dma.local @!p0 [hbm:s6], $0xF7A  }
0x23: {  	s9 =	sor.u32 $0xD0000000, s2;
	s6 =	simm.s32 $0x108;
	_ =	swait.ge @!p0 [sflag:s8], $0x0  }
0x24: {  	s3 =	sadd.s32 $0x88, s3;
	s6 =	simm.s32 @!p1 $0x1082;
	[sflag:s4] =	ssyncset.s32 $0xFFFFF086  }
0x25: {  	[simem:s6], [sflag:s4] =	dma.local [hbm:s3], $0xF7A  }
0x26: {  	[smem:$0x3F9A] =	sst s1;
	(tag) =	ssettag s2;
	_ =	strace s9  }
0x27: {  	s1 =	sld [smem:$0x3FAA]  }
0x28: {  	s2 =	sld [smem:$0x3FAB]  }
0x29: {  	s4 =	sld [smem:$0x3FAD]  }
0x2a: {  	p0 =	seq.s32 s5, $0x0;
	s5 =	sld [smem:$0x3FAE]  }
0x2b: {  	s6 =	sld [smem:$0x3FAF]  }
0x2c: {  	s7 =	sld [smem:$0x3FB0]  }
0x2d: {  	s3 =	simm.s32 $0x108;
	s8 =	sld [smem:$0x3FB1]  }
0x2e: {  	s3 =	simm.s32 @!p0 $0x1082;
	s9 =	sld [smem:$0x3FB2]  }
0x2f: {  	lr =	sadd.s32 s0, s3;
	s0 =	sld [smem:$0x3FA9]  }
0x30: {  	s3 =	sld [smem:$0x3FAC]  }
0x31: {  	[smem:$0x3FB5] =	sst s10  }
0x32: {  	s10 =	sld [smem:$0x3FB3];
	_ =	sdelay $0x3  }
0x33: {  	p0 =	seq.s32 s10, $0x1;
	s10 =	sld [smem:$0x3FB5];
	_ =	sdelay $0x3  }
0x34: {  	[smem:$0x3FB5] =	sst s10  }
0x35: {  	s10 =	sld [smem:$0x3FB4];
	_ =	sdelay $0x3  }
0x36: {  	p1 =	seq.s32 s10, $0x1;
	s10 =	sld [smem:$0x3FB5];
	_ =	sdelay $0x3  }
0x37: {  	[smem:$0x3FB5] =	sst s10  }
0x38: {  	s10 =	sld [smem:$0x3FB6]  }
0x39: {  	_ = 	snop;
	(pc) =	sbr.ind lr, $3  }
0x3a: {  	_ = 	snop  }
0x3b: {  	_ = 	snop  }
0x3c: {  	p2 =	seq.s32 s10, $0x1;
	s10 =	sld [smem:$0x3FB5]  }
0x3d: {  	_ =	shalt  }
0x3e: {  	_ =	shalt  }
0x3f: {  	_ =	shalt  }
0x40: {  	_ =	shalt  }
0x41: {  	_ =	shalt  }
0x42: {  	_ =	shalt  }
0x43: {  	_ =	shalt  }
0x44: {  	_ =	shalt  }
0x45: {  	_ =	shalt  }
0x46: {  	_ =	shalt  }
0x47: {  	_ =	shalt  }
0x48: {  	_ =	shalt  }
0x49: {  	_ =	shalt  }
0x4a: {  	_ =	shalt  }
0x4b: {  	_ =	shalt  }
0x4c: {  	_ =	shalt  }
0x4d: {  	_ =	shalt  }
0x4e: {  	_ =	shalt  }
0x4f: {  	_ =	shalt  }
0x50: {  	_ =	shalt  }
0x51: {  	_ =	shalt  }
0x52: {  	_ =	shalt  }
0x53: {  	_ =	shalt  }
0x54: {  	_ =	shalt  }
0x55: {  	_ =	shalt  }
0x56: {  	_ =	shalt  }
0x57: {  	_ =	shalt  }
0x58: {  	_ =	shalt  }
0x59: {  	_ =	shalt  }
0x5a: {  	_ =	shalt  }
0x5b: {  	_ =	shalt  }
0x5c: {  	_ =	shalt  }
0x5d: {  	_ =	shalt  }
0x5e: {  	_ =	shalt  }
0x5f: {  	_ =	shalt  }
0x60: {  	_ =	shalt  }
0x61: {  	_ =	shalt  }
0x62: {  	_ =	shalt  }
0x63: {  	_ =	shalt  }
0x64: {  	_ =	shalt  }
0x65: {  	_ =	shalt  }
0x66: {  	_ =	shalt  }
0x67: {  	_ =	shalt  }
0x68: {  	_ =	shalt  }
0x69: {  	_ =	shalt  }
0x6a: {  	_ =	shalt  }
0x6b: {  	_ =	shalt  }
0x6c: {  	_ =	shalt  }
0x6d: {  	_ =	shalt  }
0x6e: {  	_ =	shalt  }
0x6f: {  	_ =	shalt  }
0x70: {  	_ =	shalt  }
0x71: {  	_ =	shalt  }
0x72: {  	_ =	shalt  }
0x73: {  	_ =	shalt  }
0x74: {  	_ =	shalt  }
0x75: {  	_ =	shalt  }
0x76: {  	_ =	shalt  }
0x77: {  	_ =	shalt  }
0x78: {  	_ =	shalt  }
0x79: {  	_ =	shalt  }
0x7a: {  	_ =	shalt  }
0x7b: {  	_ =	shalt  }
0x7c: {  	_ =	shalt  }
0x7d: {  	_ =	shalt  }
0x7e: {  	_ =	shalt  }
0x7f: {  	_ =	shalt  }
0x80: {  	_ =	shalt  }
0x81: {  	_ =	shalt  }
0x82: {  	_ =	shalt  }
0x83: {  	_ =	shalt  }
0x84: {  	_ =	shalt  }
0x85: {  	_ =	shalt  }
0x86: {  	_ =	shalt  }
0x87: {  	_ =	shalt  }
.Lfunc_end0:
.L_simem_size_0:
called_computation.6_lowered:
.L_overlay_start_0:
0x88: {  	s2 =	sld [smem:$0x3FD9]  }
0x89: {  	s3 =	sld [smem:$0x3FFE];
	_ =	sdelay $0x1  }
0x8a: {  	s1 =	srdreg.scid  }
0x8b: {  	s0 =	sand.u32 $0x1, s1  }
0x8c: {  	s17 =	sshll.u32 s0, $0xA;
	s2 =	sadd.s32 s3, s2  }
0x8d: {  	s2 =	sadd.s32 s2, s17  }
0x8e: {  	[smem:$0x3FC1] =	sst s2  }
0x8f: {  	_ = 	snop  }
0x90: {  	(tm) =	ssettm $0x1  }
0x91: {  	s18 =	sld [smem:$0x3FFB];
	_ =	sdelay $0x3  }
0x92: {  	_ =	strace s18  }
0x93: {  	s2 =	sld [smem:$0x3FFC];
	_ =	sdelay $0x3  }
0x94: {  	_ =	strace s2  }
0x95: {  	s2 =	sld [smem:$0x3FFD];
	_ =	sdelay $0x3  }
0x96: {  	_ =	strace s2  }
0x97: {  	_ =	strace $0x8FFFFFFF  }
0x98: {  	s19 =	sld [smem:$0x3FDB];
	_ =	sdelay $0x1  }
0x99: {  	s20 =	simm.s32 $_scs_section_size  }
0x9a: {  	s4 =	simm.s32 $_size__tile_overlayer_lowered;
	s5 =	simm.s32 $_tile_overlayer_lowered  }
0x9b: {  	s6 =	simm.s32 $0x1BFF;
	s21 =	sshll.u32 s5, $0x1;
	s3 =	sadd.s32 s20, s19  }
0x9c: {  	s22 =	simm.s32 $0x0;
	s4 =	sshll.u32 s4, $0x1;
	s5 =	sadd.s32 s21, s3  }
0x9d: {  	[timem:s22], [sflag:s6] =	dma.local [hbm:s5], s4  }
0x9e: {  	_ =	swait.ge [sflag:s6], s4  }
0x9f: {  	s4 =	ssub.s32 $0x0, s4;
	[sflag:s6] =	ssyncset.done $0x0  }
0xa0: {  	[sflag:s6] =	ssyncadd.s32 s4;
	_ =	sdelay $0x1  }
0xa1: {  	s23 =	simm.s32 $0x1B8B  }
0xa2: {  	_ =	swait.ge [sflag:s23], $0x1  }
0xa3: {  	[sflag:s23] =	ssyncset.done $0x0  }
0xa4: {  	[sflag:s23] =	ssyncadd.s32 $0xFFFFFFFF  }
0xa5: {  	s4 =	sld [smem:$0x0]  }
0xa6: {  	s5 =	sand.u32 $0xFFFFFFFE, s1  }
0xa7: {  	p0 =	sne.s32 s1, s5  }
0xa8: {  	s5 =	sshll.u32 @p0 s5, $0xE  }
0xa9: {  	s5 =	sadd.s32 @p0 $0x11B8D, s5;
	s6 =	sshll.u32 @p0 s4, $0x11  }
0xaa: {  	s5 =	sor.u32 @p0 s6, s5  }
0xab: {  	[sflag:s5] =	ssyncadd.remote.s32 @p0 $0x1;
	_ =	sdelay $0x1  }
0xac: {  	s5 =	simm.s32 @p0 $0x1B8D  }
0xad: {  	_ =	swait.eq @p0 [sflag:s5], $0x1  }
0xae: {  	[sflag:s5] =	ssyncadd.s32 @p0 $0xFFFFFFFF  }
0xaf: {  	s6 =	sshll.u32 @!p0 s1, $0xE  }
0xb0: {  	s6 =	sor.u32 @!p0 $0x4000, s6;
	s5 =	simm.s32 @!p0 $0x1B8D  }
0xb1: {  	s4 =	sshll.u32 @!p0 s4, $0x11;
	s6 =	sadd.s32 @!p0 $0x11B8D, s6;
	_ =	swait.eq @!p0 [sflag:s5], $0x1  }
0xb2: {  	s4 =	sor.u32 @!p0 s4, s6;
	[sflag:s5] =	ssyncadd.s32 @!p0 $0xFFFFFFFF  }
0xb3: {  	s25 =	simm.s32 $0x1B8E;
	s24 =	sld [smem:$0x3FFE];
	[sflag:s4] =	ssyncadd.remote.s32 @!p0 $0x1  }
0xb4: {  	s26 =	simm.s32 $execute0_lowered;
	[smem:$0x3FD2] =	sst s25  }
0xb5: {  	s5 =	sshll.u32 s26, $0x1;
	_ =	strace $0x8000004F;
	[dreg:$0x1] =	wrdreg $0xFFFFFFFF  }
0xb6: {  	s28 =	simm.s32 $_size_execute0_lowered;
	s3 =	sadd.s32 s3, s5;
	[dreg:$0x0] =	wrdreg $0x0  }
0xb7: {  	s5 =	sshll.u32 s28, $0x1;
	[dreg:$0x2] =	wrdreg s3  }
0xb8: {  	[dreg:$0x3] =	wrdreg s5  }
0xb9: {  	[dreg:$0x4] =	wrdreg $0xC0  }
0xba: {  	_ =	task [dreg:s22], $0x5FFFF  }
0xbb: {  	[dreg:$0x1] =	wrdreg $0xFFFFFFFF  }
0xbc: {  	[dreg:$0x0] =	wrdreg $0x60  }
0xbd: {  	[dreg:$0x2] =	wrdreg s24  }
0xbe: {  	[dreg:$0x3] =	wrdreg $0xB  }
0xbf: {  	_ =	task.clear_ibuf [dreg:s22], $0x4FFFF;
	_ =	strace $0x9000004F  }
0xc0: {  	s29 =	simm.s32 $0xB;
	_ =	strace $0x80000051  }
0xc1: {  	_ =	swait.ge [sflag:s29], $0x1  }
0xc2: {  	[sflag:s29] =	ssyncadd.s32 $0xFFFFFFFF  }
0xc3: {  	_ =	strace $0x90000051  }
0xc4: {  	_ =	sfence  }
0xc5: {  	s30 =	sld [smem:$0x0];
	_ =	sdelay $0x2  }
0xc6: {  	s31 =	sshll.u32 s1, $0xD;
	s1 =	sshrl.u32 s1, $0x2  }
0xc7: {  	s4 =	sand.u32 $0x4000, s31;
	s1 =	sadd.s32 s1, s30  }
0xc8: {  	s0 =	sor.u32 s4, s0;
	s1 =	sshll.u32 s1, $0x11  }
0xc9: {  	s0 =	sor.u32 s1, s0  }
0xca: {  	s0 =	sadd.s32 $0x8F2B, s0  }
0xcb: {  	[sflag:s0] =	ssyncadd.remote.s32 $0x1  }
0xcc: {  	_ =	sfence.sel $0xFFFF  }
0xcd: {  	[dreg:$0x0] =	wrdreg $0xFFFFFFFF;
	(pc) =	sbr.abs _section_cstart, $3  }
0xce: {  	[dreg:$0x1] =	wrdreg $0xFFFFFFFF  }
0xcf: {  	_ =	task.clear_ibuf [dreg:s22], $0x2FFFF;
	_ =	strace $0x9FFFFFFF  }
0xd0: {  	(tm) =	ssettm $0x7FFFFFFF  }
0xd1: {  	_ =	shalt  }
tec
execute0_lowered:
.L_overlay_start_1:
0x0: {  	(tag) =	ssettag $0x1  }
0x1: {  	s7 =	rddreg [dreg:$0x0]  }
0x2: {  	s1 =	srdreg.scid;
	s0 =	rddreg [dreg:$0x1]  }
0x3: {  	_ =	strace $0x80000050;
	s3 =	simm.s32 $0x1;
	s5 =	simm.s32 $0x2  }
0x4: {  	s9 =	simm.s32 $0x3;
	s11 =	simm.s32 $0x0;
	s2 =	sshll.u32 s1, $0x4  }
.Ltmp0:
0x5: {  	s1 =	stileid.u32;
	s4 =	sand.u32 $0x10, s2;
	(pc) =	sbr.rel .LBB2_1-.Ltmp0, $4  }
0x6: {  	p0 =	por $0x0, $0x0;
	[sflag:s3] =	ssyncpa.u1 $0x0;
	s4 =	sor.u32 s1, s4  }
0x7: {  	s6 =	sadd.s32 $0x3000, s7;
	[sflag:s5] =	ssyncpa.u1 $0x0;
	s4 =	smul.u32 $0x600, s4  }
0x8: {  	s2 =	sadd.s32 $0x1216C00, s7;
	s7 =	sadd.s32 $0x1A8800, s7;
	[sflag:s9] =	ssyncpa.u1 $0x0  }
0x9: {  	vm0 =	vmmov $0xff;
	vm1 =	vcmask $0x3F20;
	s9 =	simm.s32 $0x0;
	s8 =	sadd.s32 $0x600, s4;
	s10 =	smov.u32 s4  }
.LBB2_6:
0xa: {  	[hbm:s15] =	stream.linear.scatter [tilespmem:s12], [sflag:$0x3], $0x400, $0x38;
	[tilespmem:$0x18300] =	vst v63  }
.LBB2_7:
0xb: {  	p1 =	slt.u32 s9, $0x2;
	s11 =	sadd.s32 $0x180, s10  }
0xc: {  	s13 =	smov.u32 s4;
	s9 =	sadd.s32 $0x1, s9;
	p2 =	slt.s32 s11, s8  }
0xd: {  	s13 =	smov.u32 @p2 s11;
	p2 =	sne.s32 s9, $0x6  }
.Ltmp1:
0xe: {  	_ = 	snop;
	(pc) =	sbr.rel @!p2 .LBB2_8-.Ltmp1, $4  }
0xf: {  	s12 =	simm.s32 @!p1 $0x3  }
0x10: {  	_ =	swait.ge @!p1 [sflag:s12], $0xC000  }
0x11: {  	p0 =	por !p0, !p0;
	[sflag:s12] =	ssyncset.done @!p1 $0x0  }
0x12: {  	s11 =	smov.u32 s10;
	s10 =	smov.u32 s13;
	[sflag:s12] =	ssyncadd.s32 @!p1 $0xFFFF4000  }
.LBB2_1:
0x13: {  	p1 =	sgt.u32 s9, $0x3  }
0x14: {  	s12 =	sxor.u32 @!p1 $0xFFFFFFFF, s9  }
0x15: {  	s12 =	sand.u32 @!p1 $0x1, s12  }
0x16: {  	s12 =	smul.u32 @!p1 $0x600, s12  }
0x17: {  	s31 =	sadd.s32 $0xFFFFFFFF, s9;
	s13 =	sshrl.u32 @!p1 s10, $0x3  }
0x18: {  	s14 =	sand.u32 @!p1 $0x7, s10;
	s13 =	sadd.s32 @!p1 s6, s13;
	s12 =	sshrl.u32 @!p1 s12, $0x2  }
0x19: {  	[tilespmem:s12], [sflag:$0x2] =	stream.linear.gather @!p1 [hbm4b:s13+s14], $0x180, $0x38;
	[tilespmem:$0x18300] =	vst v63  }
0x1a: {  	p1 =	sgt.u32 s31, $0x3  }
.Ltmp2:
0x1b: {  	_ = 	snop;
	(pc) =	sbr.rel @p1 .LBB2_7-.Ltmp2, $1  }
0x1c: {  	_ =	sdelay $0x3  }
0x1d: {  	s12 =	simm.s32 $0x1  }
0x1e: {  	s12 =	simm.s32 @!p0 $0x0  }
0x1f: {  	s13 =	smul.u32 $0x600, s12  }
0x20: {  	_ =	swait.ge [sflag:s5], $0x180  }
0x21: {  	[sflag:s5] =	ssyncset.done $0x0;
	s14 =	sshrl.u32 s13, $0x2  }
0x22: {  	[sflag:s5] =	ssyncadd.s32 $0xFFFFFE80;
	s13 =	sadd.s32 $0x0, s14  }
0x23: {  	v0 =	vld.msk [tilespmem:s13+$0x0 ss:$0x1], $0xffff;
	_ =	sdelay $0x4  }
0x24: {  	vm2 =	vgt.s32 v0, $0x0  }
0x25: {  	v0 =	vnsel vm2, $0x0, v0  }
0x26: {  	v0 =	vmin.u32 v0, $0x60000  }
0x27: {  	v0 =	vshll.u32 v0, $0x4  }
0x28: {  	s12 =	smul.u32 $0x30000, s12;
	_ =	sdelay $0x1  }
0x29: {  	s12 =	sshrl.u32 s12, $0x2  }
0x2a: {  	s12 =	sor.u32 $0x300, s12  }
0x2b: {  	[tilespmem:s12], [sflag:$0x1] =	stream.indirect_vreg.gather [hbm:s2], $0x80, v0, vm0, $0x38;
	[tilespmem:$0x18300] =	vst v63  }
0x2c: {  	s15 =	sadd.s32 $0x10, s14;
	s13 =	sadd.s32 $0x400, s12  }
0x2d: {  	[tilespmem:s13], [sflag:$0x1] =	stream.indirect_vreg.gather [hbm:s2], $0x80, v0, vm1, $0x38;
	[tilespmem:$0x18300] =	vst v63  }
0x2e: {  	s16 =	simm.s32 $0x80;
	v0 =	vld.msk [tilespmem:s15+$0x0 ss:$0x1], $0xffff;
	s15 =	smov.u32 s12  }
.LBB2_3:
0x2f: {  	p1 =	sne.s32 s16, $0x5C0;
	_ =	sdelay $0x4  }
0x30: {  	vm2 =	vgt.s32 v0, $0x0  }
0x31: {  	v0 =	vnsel vm2, $0x0, v0  }
0x32: {  	v0 =	vmin.u32 v0, $0x60000  }
0x33: {  	v0 =	vshll.u32 v0, $0x4;
	_ =	sdelay $0x3  }
.Ltmp3:
0x34: {  	s17 =	sshra.s32 s16, $0x2;
	s15 =	sadd.s32 $0x800, s15;
	(pc) =	sbr.rel @p1 .LBB2_3-.Ltmp3, $4  }
0x35: {  	[tilespmem:s15], [sflag:$0x1] =	stream.indirect_vreg.gather [hbm:s2], $0x80, v0, vm0, $0x38;
	[tilespmem:$0x18300] =	vst v63  }
0x36: {  	s17 =	sadd.s32 s17, s14;
	s18 =	sadd.s32 $0x400, s15  }
0x37: {  	[tilespmem:s18], [sflag:$0x1] =	stream.indirect_vreg.gather [hbm:s2], $0x80, v0, vm1, $0x38;
	[tilespmem:$0x18300] =	vst v63  }
0x38: {  	s16 =	sadd.s32 $0x40, s16;
	v0 =	vld.msk [tilespmem:s17+$0x0 ss:$0x1], $0xffff  }
0x39: {  	_ =	sdelay $0x3  }
0x3a: {  	vm2 =	vgt.s32 v0, $0x0  }
0x3b: {  	v0 =	vnsel vm2, $0x0, v0  }
0x3c: {  	v0 =	vmin.u32 v0, $0x60000  }
0x3d: {  	v0 =	vshll.u32 v0, $0x4;
	_ =	sdelay $0x3  }
0x3e: {  	s14 =	sadd.s32 $0x800, s15  }
0x3f: {  	[tilespmem:s14], [sflag:$0x1] =	stream.indirect_vreg.gather [hbm:s2], $0x80, v0, vm0, $0x38;
	[tilespmem:$0x18300] =	vst v63  }
0x40: {  	s14 =	sadd.s32 $0x400, s14  }
0x41: {  	[tilespmem:s14], [sflag:$0x1] =	stream.indirect_vreg.gather [hbm:s2], $0x80, v0, vm1, $0x38;
	[tilespmem:$0x18300] =	vst v63  }
0x42: {  	s11 =	sshll.u32 s11, $0x4;
	_ =	swait.ge [sflag:s3], $0xC000  }
0x43: {  	s11 =	sadd.s32 s11, s7;
	[sflag:s3] =	ssyncset.done $0x0  }
0x44: {  	s15 =	sadd.s32 $0x0, s11;
	s14 =	simm.s32 $0x80;
	[sflag:s3] =	ssyncadd.s32 $0xFFFF4000  }
.LBB2_5:
0x45: {  	[hbm:s15] =	stream.linear.scatter [tilespmem:s12], [sflag:$0x3], $0x400, $0x38;
	[tilespmem:$0x18300] =	vst v63  }
0x46: {  	s15 =	smov.u32 s14;
	s12 =	smov.u32 s13;
	p1 =	sne.s32 s14, $0x1780  }
.Ltmp4:
0x47: {  	s14 =	sadd.s32 $0x80, s14;
	(pc) =	sbr.rel @p1 .LBB2_5-.Ltmp4, $2  }
0x48: {  	_ =	sdelay $0x2  }
0x49: {  	s13 =	sadd.s32 $0x400, s13;
	s15 =	sadd.s32 s15, s11  }
.Ltmp5:
0x4a: {  	_ = 	snop;
	(pc) =	sbr.rel .LBB2_6-.Ltmp5, $1  }
0x4b: {  	_ =	sdelay $0x3  }
.LBB2_8:
0x4c: {  	_ =	sfence.sel $0x180000  }
0x4d: {  	s2 =	simm.s32 $0x2;
	[bflag:$0x0] =	sbarrier.arrive $0xFFFF  }
0x4e: {  	s30 =	simm.s32 $0x3;
	[sflag:s2] =	ssyncpa.u1 $0x1  }
0x4f: {  	s31 =	simm.s32 $0x1;
	[sflag:s30] =	ssyncpa.u1 $0x1  }
0x50: {  	[sflag:s31] =	ssyncpa.u1 $0x1  }
0x51: {  	p0 =	sne.s32 s1, $0x0;
	_ =	strace $0x90000050  }
0x52: {  	s0 =	sadd.s32 @!p0 $0x100000, s0;
	[bflag:$0x2] =	sbarrier.arrive $0xFFFF  }
0x53: {  	[sflag:s0] =	ssyncadd.tile.s32 @!p0 $0x1;
	_ =	shalt  }
.Lfunc_end2:
_tile_overlayer_lowered:
.L_overlay_start_2:
0x54: {  	(tag) =	ssettag $0x2  }
0x55: {  	s0 =	rddreg [dreg:$0x0];
	s2 =	stileid.u32  }
0x56: {  	s1 =	rddreg [dreg:$0x1];
	p0 =	sne.s32 s2, $0x0  }
0x57: {  	s3 =	rddreg [dreg:$0x2];
	[bflag:$0x3] =	sbarrier.arrive $0xFFFF;
	s2 =	simm.s32 @!p0 $0x1C01  }
0x58: {  	[timem:s3], [sflag:s2] =	dma.local @!p0 [hbm:s0], s1  }
0x59: {  	s0 =	simm.s32 @!p0 $0x1  }
0x5a: {  	_ =	swait.ge @!p0 [sflag:s0], s1  }
0x5b: {  	s1 =	ssub.s32 @!p0 $0x0, s1;
	[sflag:s0] =	ssyncset.done @!p0 $0x0  }
0x5c: {  	[sflag:s0] =	ssyncadd.s32 @!p0 s1  }
0x5d: {  	[bflag:$0x3] =	sbarrier.arrive $0xFFFF  }
0x5e: {  	_ =	shalt  }

// kernel: gather_offload_async_start
scs
__scs_entry_jumppad:
0x0: {  	(pc) =	sbr.rel $0x88, $3  }
0x1: {  	(tag) =	ssettag $0x0;
	lr =	simm.s32 $0x1  }
0x2: {  	[smem:$0x3F9A] =	sst lr;
	_ =	strace $0xD0000000  }
0x3: {  	_ = 	snop  }
0x4: {  	_ = 	snop  }
0x5: {  	_ = 	snop  }
0x6: {  	_ = 	snop  }
0x7: {  	_ = 	snop  }
__scs_overlays_trampoline_lowered:
0x8: {  	[smem:$0x3FA9] =	sst s0  }
0x9: {  	[smem:$0x3FAA] =	sst s1  }
0xa: {  	[smem:$0x3FAB] =	sst s2  }
0xb: {  	[smem:$0x3FAC] =	sst s3  }
0xc: {  	[smem:$0x3FAD] =	sst s4  }
0xd: {  	[smem:$0x3FAE] =	sst s5  }
0xe: {  	[smem:$0x3FAF] =	sst s6  }
0xf: {  	[smem:$0x3FB0] =	sst s7  }
0x10: {  	[smem:$0x3FB1] =	sst s8  }
0x11: {  	[smem:$0x3FB2] =	sst s9;
	s0 =	simm.s32 @!p0 $0x0  }
0x12: {  	s1 =	sld [smem:$0x3F98];
	s0 =	simm.s32 @p0 $0x1  }
0x13: {  	[smem:$0x3FB3] =	sst s0;
	s0 =	simm.s32 @!p1 $0x0  }
0x14: {  	s2 =	sld [smem:$0x3F97];
	s0 =	simm.s32 @p1 $0x1  }
0x15: {  	[smem:$0x3FB4] =	sst s0;
	s0 =	simm.s32 @!p2 $0x0  }
0x16: {  	s3 =	sld [smem:$0x3FDB];
	s0 =	simm.s32 @p2 $0x1  }
0x17: {  	s4 =	simm.s32 $0x1BF5;
	[smem:$0x3FB6] =	sst s0  }
0x18: {  	s0 =	sld [smem:$0x3F99];
	_ =	swait.ge [sflag:s4], $0x0  }
0x19: {  	s7 =	sld [smem:$0x3F9A]  }
0x1a: {  	s8 =	sadd.s32 $0xFFFFE003, lr  }
0x1b: {  	s9 =	sadd.s32 $0xFFFFFEF7, lr;
	s5 =	simm.s32 $0xFFFFFFFF;
	p2 =	slt.u32 s8, $0xFFFFF086  }
0x1c: {  	p1 =	slt.u32 s9, $0xF7A;
	s5 =	simm.s32 @!p2 $0x0  }
0x1d: {  	s5 =	simm.s32 @p1 $0x1;
	p0 =	seq.s32 s7, s2  }
0x1e: {  	s7 =	smul.u32 @!p0 $0xF7A, s2;
	p2 =	seq.s32 @!p0 s5, $0x0  }
0x1f: {  	s9 =	smul.u32 $0xF7A, s1;
	s8 =	simm.s32 @!p0 $0x1BF5;
	p2 =	por !p2, p0  }
0x20: {  	[sflag:s8] =	ssyncset.s32 @!p0 $0xFFFFF086;
	s6 =	sadd.s32 @!p0 s3, s7;
	s7 =	simm.s32 @!p0 $0x108  }
0x21: {  	s3 =	sadd.s32 s3, s9;
	s6 =	sadd.s32 @!p0 $0x88, s6;
	s7 =	simm.s32 @p2 $0x1082  }
0x22: {  	[simem:s7], [sflag:s8] =	dma.local @!p0 [hbm:s6], $0xF7A  }
0x23: {  	s9 =	sor.u32 $0xD0000000, s2;
	s6 =	simm.s32 $0x108;
	_ =	swait.ge @!p0 [sflag:s8], $0x0  }
0x24: {  	s3 =	sadd.s32 $0x88, s3;
	s6 =	simm.s32 @!p1 $0x1082;
	[sflag:s4] =	ssyncset.s32 $0xFFFFF086  }
0x25: {  	[simem:s6], [sflag:s4] =	dma.local [hbm:s3], $0xF7A  }
0x26: {  	[smem:$0x3F9A] =	sst s1;
	(tag) =	ssettag s2;
	_ =	strace s9  }
0x27: {  	s1 =	sld [smem:$0x3FAA]  }
0x28: {  	s2 =	sld [smem:$0x3FAB]  }
0x29: {  	s4 =	sld [smem:$0x3FAD]  }
0x2a: {  	p0 =	seq.s32 s5, $0x0;
	s5 =	sld [smem:$0x3FAE]  }
0x2b: {  	s6 =	sld [smem:$0x3FAF]  }
0x2c: {  	s7 =	sld [smem:$0x3FB0]  }
0x2d: {  	s3 =	simm.s32 $0x108;
	s8 =	sld [smem:$0x3FB1]  }
0x2e: {  	s3 =	simm.s32 @!p0 $0x1082;
	s9 =	sld [smem:$0x3FB2]  }
0x2f: {  	lr =	sadd.s32 s0, s3;
	s0 =	sld [smem:$0x3FA9]  }
0x30: {  	s3 =	sld [smem:$0x3FAC]  }
0x31: {  	[smem:$0x3FB5] =	sst s10  }
0x32: {  	s10 =	sld [smem:$0x3FB3];
	_ =	sdelay $0x3  }
0x33: {  	p0 =	seq.s32 s10, $0x1;
	s10 =	sld [smem:$0x3FB5];
	_ =	sdelay $0x3  }
0x34: {  	[smem:$0x3FB5] =	sst s10  }
0x35: {  	s10 =	sld [smem:$0x3FB4];
	_ =	sdelay $0x3  }
0x36: {  	p1 =	seq.s32 s10, $0x1;
	s10 =	sld [smem:$0x3FB5];
	_ =	sdelay $0x3  }
0x37: {  	[smem:$0x3FB5] =	sst s10  }
0x38: {  	s10 =	sld [smem:$0x3FB6]  }
0x39: {  	_ = 	snop;
	(pc) =	sbr.ind lr, $3  }
0x3a: {  	_ = 	snop  }
0x3b: {  	_ = 	snop  }
0x3c: {  	p2 =	seq.s32 s10, $0x1;
	s10 =	sld [smem:$0x3FB5]  }
0x3d: {  	_ =	shalt  }
0x3e: {  	_ =	shalt  }
0x3f: {  	_ =	shalt  }
0x40: {  	_ =	shalt  }
0x41: {  	_ =	shalt  }
0x42: {  	_ =	shalt  }
0x43: {  	_ =	shalt  }
0x44: {  	_ =	shalt  }
0x45: {  	_ =	shalt  }
0x46: {  	_ =	shalt  }
0x47: {  	_ =	shalt  }
0x48: {  	_ =	shalt  }
0x49: {  	_ =	shalt  }
0x4a: {  	_ =	shalt  }
0x4b: {  	_ =	shalt  }
0x4c: {  	_ =	shalt  }
0x4d: {  	_ =	shalt  }
0x4e: {  	_ =	shalt  }
0x4f: {  	_ =	shalt  }
0x50: {  	_ =	shalt  }
0x51: {  	_ =	shalt  }
0x52: {  	_ =	shalt  }
0x53: {  	_ =	shalt  }
0x54: {  	_ =	shalt  }
0x55: {  	_ =	shalt  }
0x56: {  	_ =	shalt  }
0x57: {  	_ =	shalt  }
0x58: {  	_ =	shalt  }
0x59: {  	_ =	shalt  }
0x5a: {  	_ =	shalt  }
0x5b: {  	_ =	shalt  }
0x5c: {  	_ =	shalt  }
0x5d: {  	_ =	shalt  }
0x5e: {  	_ =	shalt  }
0x5f: {  	_ =	shalt  }
0x60: {  	_ =	shalt  }
0x61: {  	_ =	shalt  }
0x62: {  	_ =	shalt  }
0x63: {  	_ =	shalt  }
0x64: {  	_ =	shalt  }
0x65: {  	_ =	shalt  }
0x66: {  	_ =	shalt  }
0x67: {  	_ =	shalt  }
0x68: {  	_ =	shalt  }
0x69: {  	_ =	shalt  }
0x6a: {  	_ =	shalt  }
0x6b: {  	_ =	shalt  }
0x6c: {  	_ =	shalt  }
0x6d: {  	_ =	shalt  }
0x6e: {  	_ =	shalt  }
0x6f: {  	_ =	shalt  }
0x70: {  	_ =	shalt  }
0x71: {  	_ =	shalt  }
0x72: {  	_ =	shalt  }
0x73: {  	_ =	shalt  }
0x74: {  	_ =	shalt  }
0x75: {  	_ =	shalt  }
0x76: {  	_ =	shalt  }
0x77: {  	_ =	shalt  }
0x78: {  	_ =	shalt  }
0x79: {  	_ =	shalt  }
0x7a: {  	_ =	shalt  }
0x7b: {  	_ =	shalt  }
0x7c: {  	_ =	shalt  }
0x7d: {  	_ =	shalt  }
0x7e: {  	_ =	shalt  }
0x7f: {  	_ =	shalt  }
0x80: {  	_ =	shalt  }
0x81: {  	_ =	shalt  }
0x82: {  	_ =	shalt  }
0x83: {  	_ =	shalt  }
0x84: {  	_ =	shalt  }
0x85: {  	_ =	shalt  }
0x86: {  	_ =	shalt  }
0x87: {  	_ =	shalt  }
.Lfunc_end0:
.L_simem_size_0:
called_computation.4_lowered:
.L_overlay_start_0:
0x88: {  	s2 =	sld [smem:$0x3FD9]  }
0x89: {  	s3 =	sld [smem:$0x3FFE];
	_ =	sdelay $0x1  }
0x8a: {  	s1 =	srdreg.scid  }
0x8b: {  	s0 =	sand.u32 $0x1, s1  }
0x8c: {  	s15 =	sshll.u32 s0, $0xA;
	s2 =	sadd.s32 s3, s2  }
0x8d: {  	s2 =	sadd.s32 s2, s15  }
0x8e: {  	[smem:$0x3FC1] =	sst s2  }
0x8f: {  	_ = 	snop  }
0x90: {  	s2 =	sld [smem:$0x3FD0];
	_ =	sdelay $0x2  }
0x91: {  	s16 =	simm.s32 $0xC;
	s4 =	simm.s32 $0x10  }
0x92: {  	[smem:s4], [sflag:s16] =	dma.local [hbm:s2], $0x1  }
0x93: {  	_ =	swait.eq [sflag:s16], $0x1  }
0x94: {  	[sflag:s16] =	ssyncset.done $0x0  }
0x95: {  	[sflag:s16] =	ssyncadd.s32 $0xFFFFFFFF  }
0x96: {  	s17 =	sld [smem:$0x11];
	(tm) =	ssettm $0x1  }
0x97: {  	s18 =	sld [smem:$0x3FFB];
	_ =	sdelay $0x3  }
0x98: {  	_ =	strace s18  }
0x99: {  	s2 =	sld [smem:$0x3FFC];
	_ =	sdelay $0x3  }
0x9a: {  	_ =	strace s2  }
0x9b: {  	s2 =	sld [smem:$0x3FFD];
	_ =	sdelay $0x3  }
0x9c: {  	_ =	strace s2  }
0x9d: {  	_ =	strace $0x8FFFFFFF  }
0x9e: {  	s19 =	sld [smem:$0x3FDB];
	_ =	sdelay $0x1  }
0x9f: {  	s20 =	simm.s32 $_scs_section_size  }
0xa0: {  	s5 =	simm.s32 $_size__tile_overlayer_lowered;
	s6 =	simm.s32 $_tile_overlayer_lowered  }
0xa1: {  	s7 =	simm.s32 $0x1BFF;
	s21 =	sshll.u32 s6, $0x1;
	s4 =	sadd.s32 s20, s19  }
0xa2: {  	s22 =	simm.s32 $0x0;
	s5 =	sshll.u32 s5, $0x1;
	s6 =	sadd.s32 s21, s4  }
0xa3: {  	[timem:s22], [sflag:s7] =	dma.local [hbm:s6], s5  }
0xa4: {  	_ =	swait.ge [sflag:s7], s5  }
0xa5: {  	s5 =	ssub.s32 $0x0, s5;
	[sflag:s7] =	ssyncset.done $0x0  }
0xa6: {  	[sflag:s7] =	ssyncadd.s32 s5;
	_ =	sdelay $0x1  }
0xa7: {  	s23 =	simm.s32 $0x1B8B  }
0xa8: {  	_ =	swait.ge [sflag:s23], $0x1  }
0xa9: {  	[sflag:s23] =	ssyncset.done $0x0  }
0xaa: {  	[sflag:s23] =	ssyncadd.s32 $0xFFFFFFFF  }
0xab: {  	s5 =	sld [smem:$0x0]  }
0xac: {  	s6 =	sand.u32 $0xFFFFFFFE, s1  }
0xad: {  	p0 =	sne.s32 s1, s6  }
0xae: {  	s6 =	sshll.u32 @p0 s6, $0xE  }
0xaf: {  	s6 =	sadd.s32 @p0 $0x11B8D, s6;
	s7 =	sshll.u32 @p0 s5, $0x11  }
0xb0: {  	s6 =	sor.u32 @p0 s7, s6  }
0xb1: {  	[sflag:s6] =	ssyncadd.remote.s32 @p0 $0x1;
	_ =	sdelay $0x1  }
0xb2: {  	s6 =	simm.s32 @p0 $0x1B8D  }
0xb3: {  	_ =	swait.eq @p0 [sflag:s6], $0x1  }
0xb4: {  	[sflag:s6] =	ssyncadd.s32 @p0 $0xFFFFFFFF  }
0xb5: {  	s7 =	sshll.u32 @!p0 s1, $0xE  }
0xb6: {  	s7 =	sor.u32 @!p0 $0x4000, s7;
	s6 =	simm.s32 @!p0 $0x1B8D  }
0xb7: {  	s5 =	sshll.u32 @!p0 s5, $0x11;
	s7 =	sadd.s32 @!p0 $0x11B8D, s7;
	_ =	swait.eq @!p0 [sflag:s6], $0x1  }
0xb8: {  	s5 =	sor.u32 @!p0 s5, s7;
	[sflag:s6] =	ssyncadd.s32 @!p0 $0xFFFFFFFF  }
0xb9: {  	s25 =	simm.s32 $0x1B8E;
	s24 =	sld [smem:$0x3FFE];
	[sflag:s5] =	ssyncadd.remote.s32 @!p0 $0x1  }
0xba: {  	s26 =	simm.s32 $execute0_lowered;
	[smem:$0x3FD2] =	sst s25  }
0xbb: {  	s6 =	sshll.u32 s26, $0x1;
	_ =	strace $0x80000052;
	[dreg:$0x1] =	wrdreg $0xFFFFFFFF  }
0xbc: {  	s28 =	simm.s32 $_size_execute0_lowered;
	s4 =	sadd.s32 s4, s6;
	[dreg:$0x0] =	wrdreg $0x0  }
0xbd: {  	s6 =	sshll.u32 s28, $0x1;
	[dreg:$0x2] =	wrdreg s4  }
0xbe: {  	[dreg:$0x3] =	wrdreg s6  }
0xbf: {  	[dreg:$0x4] =	wrdreg $0xC0  }
0xc0: {  	_ =	task [dreg:s22], $0x5FFFF  }
0xc1: {  	[dreg:$0x1] =	wrdreg $0xFFFFFFFF  }
0xc2: {  	[dreg:$0x0] =	wrdreg $0x60  }
0xc3: {  	[dreg:$0x2] =	wrdreg s17  }
0xc4: {  	[dreg:$0x3] =	wrdreg s24  }
0xc5: {  	[dreg:$0x4] =	wrdreg $0x9  }
0xc6: {  	_ =	task.clear_ibuf [dreg:s22], $0x5FFFF;
	_ =	strace $0x90000052  }
0xc7: {  	s29 =	simm.s32 $0x9;
	_ =	strace $0x80000054  }
0xc8: {  	_ =	swait.ge [sflag:s29], $0x1  }
0xc9: {  	[sflag:s29] =	ssyncadd.s32 $0xFFFFFFFF  }
0xca: {  	_ =	strace $0x90000054  }
0xcb: {  	_ =	sfence  }
0xcc: {  	s30 =	sld [smem:$0x0];
	_ =	sdelay $0x2  }
0xcd: {  	s31 =	sshll.u32 s1, $0xD;
	s1 =	sshrl.u32 s1, $0x2  }
0xce: {  	s4 =	sand.u32 $0x4000, s31;
	s1 =	sadd.s32 s1, s30  }
0xcf: {  	s0 =	sor.u32 s4, s0;
	s1 =	sshll.u32 s1, $0x11  }
0xd0: {  	s0 =	sor.u32 s1, s0  }
0xd1: {  	s0 =	sadd.s32 $0x8F2B, s0  }
0xd2: {  	[sflag:s0] =	ssyncadd.remote.s32 $0x1  }
0xd3: {  	_ =	sfence.sel $0xFFFF  }
0xd4: {  	[dreg:$0x0] =	wrdreg $0xFFFFFFFF;
	(pc) =	sbr.abs _section_cstart, $3  }
0xd5: {  	[dreg:$0x1] =	wrdreg $0xFFFFFFFF  }
0xd6: {  	_ =	task.clear_ibuf [dreg:s22], $0x2FFFF;
	_ =	strace $0x9FFFFFFF  }
0xd7: {  	(tm) =	ssettm $0x7FFFFFFF  }
tec
execute0_lowered:
.L_overlay_start_1:
0x0: {  	(tag) =	ssettag $0x1  }
0x1: {  	s2 =	rddreg [dreg:$0x0]  }
0x2: {  	s0 =	srdreg.scid;
	s7 =	rddreg [dreg:$0x1]  }
0x3: {  	s1 =	stileid.u32;
	s5 =	simm.s32 $0x2;
	s9 =	simm.s32 $0x3  }
0x4: {  	s3 =	sshll.u32 s0, $0x4;
	s0 =	rddreg [dreg:$0x2];
	_ =	strace $0x80000053  }
.Ltmp0:
0x5: {  	s4 =	sand.u32 $0x10, s3;
	s3 =	simm.s32 $0x1;
	(pc) =	sbr.rel .LBB2_1-.Ltmp0, $4  }
0x6: {  	s11 =	simm.s32 $0x0;
	s4 =	sor.u32 s1, s4;
	[sflag:s3] =	ssyncpa.u1 $0x0  }
0x7: {  	p0 =	por $0x0, $0x0;
	s4 =	smul.u32 $0x600, s4;
	[sflag:s5] =	ssyncpa.u1 $0x0  }
0x8: {  	s6 =	sadd.s32 $0x15000, s7;
	s7 =	sadd.s32 $0x268800, s7;
	[sflag:s9] =	ssyncpa.u1 $0x0  }
0x9: {  	vm0 =	vmmov $0xff;
	vm1 =	vcmask $0x3F20;
	s9 =	simm.s32 $0x0;
	s8 =	sadd.s32 $0x600, s4;
	s10 =	smov.u32 s4  }
.LBB2_6:
0xa: {  	[hbm:s15] =	stream.linear.scatter [tilespmem:s12], [sflag:$0x3], $0x400, $0x38;
	[tilespmem:$0x18300] =	vst v63  }
.LBB2_7:
0xb: {  	p1 =	slt.u32 s9, $0x2;
	s11 =	sadd.s32 $0x180, s10  }
0xc: {  	s13 =	smov.u32 s4;
	s9 =	sadd.s32 $0x1, s9;
	p2 =	slt.s32 s11, s8  }
0xd: {  	s13 =	smov.u32 @p2 s11;
	p2 =	sne.s32 s9, $0x6  }
.Ltmp1:
0xe: {  	_ = 	snop;
	(pc) =	sbr.rel @!p2 .LBB2_8-.Ltmp1, $4  }
0xf: {  	s12 =	simm.s32 @!p1 $0x3  }
0x10: {  	_ =	swait.ge @!p1 [sflag:s12], $0xC000  }
0x11: {  	p0 =	por !p0, !p0;
	[sflag:s12] =	ssyncset.done @!p1 $0x0  }
0x12: {  	s11 =	smov.u32 s10;
	s10 =	smov.u32 s13;
	[sflag:s12] =	ssyncadd.s32 @!p1 $0xFFFF4000  }
.LBB2_1:
0x13: {  	p1 =	sgt.u32 s9, $0x3  }
0x14: {  	s12 =	sxor.u32 @!p1 $0xFFFFFFFF, s9  }
0x15: {  	s12 =	sand.u32 @!p1 $0x1, s12  }
0x16: {  	s12 =	smul.u32 @!p1 $0x600, s12  }
0x17: {  	s31 =	sadd.s32 $0xFFFFFFFF, s9;
	s13 =	sshrl.u32 @!p1 s10, $0x3  }
0x18: {  	s14 =	sand.u32 @!p1 $0x7, s10;
	s13 =	sadd.s32 @!p1 s6, s13;
	s12 =	sshrl.u32 @!p1 s12, $0x2  }
0x19: {  	[tilespmem:s12], [sflag:$0x2] =	stream.linear.gather @!p1 [hbm4b:s13+s14], $0x180, $0x38;
	[tilespmem:$0x18300] =	vst v63  }
0x1a: {  	p1 =	sgt.u32 s31, $0x3  }
.Ltmp2:
0x1b: {  	_ = 	snop;
	(pc) =	sbr.rel @p1 .LBB2_7-.Ltmp2, $1  }
0x1c: {  	_ =	sdelay $0x3  }
0x1d: {  	s12 =	simm.s32 $0x1  }
0x1e: {  	s12 =	simm.s32 @!p0 $0x0  }
0x1f: {  	s13 =	smul.u32 $0x600, s12  }
0x20: {  	_ =	swait.ge [sflag:s5], $0x180  }
0x21: {  	[sflag:s5] =	ssyncset.done $0x0;
	s14 =	sshrl.u32 s13, $0x2  }
0x22: {  	[sflag:s5] =	ssyncadd.s32 $0xFFFFFE80;
	s13 =	sadd.s32 $0x0, s14  }
0x23: {  	v0 =	vld.msk [tilespmem:s13+$0x0 ss:$0x1], $0xffff;
	_ =	sdelay $0x4  }
0x24: {  	vm2 =	vgt.s32 v0, $0x0  }
0x25: {  	v0 =	vnsel vm2, $0x0, v0  }
0x26: {  	v0 =	vmin.u32 v0, $0x23FFF  }
0x27: {  	v0 =	vshll.u32 v0, $0x4  }
0x28: {  	s12 =	smul.u32 $0x30000, s12;
	_ =	sdelay $0x1  }
0x29: {  	s12 =	sshrl.u32 s12, $0x2  }
0x2a: {  	s12 =	sor.u32 $0x300, s12  }
0x2b: {  	[tilespmem:s12], [sflag:$0x1] =	stream.indirect_vreg.gather [hbm:s2], $0x80, v0, vm0, $0x38;
	[tilespmem:$0x18300] =	vst v63  }
0x2c: {  	s15 =	sadd.s32 $0x10, s14;
	s13 =	sadd.s32 $0x400, s12  }
0x2d: {  	[tilespmem:s13], [sflag:$0x1] =	stream.indirect_vreg.gather [hbm:s2], $0x80, v0, vm1, $0x38;
	[tilespmem:$0x18300] =	vst v63  }
0x2e: {  	s16 =	simm.s32 $0x80;
	v0 =	vld.msk [tilespmem:s15+$0x0 ss:$0x1], $0xffff;
	s15 =	smov.u32 s12  }
.LBB2_3:
0x2f: {  	p1 =	sne.s32 s16, $0x5C0;
	_ =	sdelay $0x4  }
0x30: {  	vm2 =	vgt.s32 v0, $0x0  }
0x31: {  	v0 =	vnsel vm2, $0x0, v0  }
0x32: {  	v0 =	vmin.u32 v0, $0x23FFF  }
0x33: {  	v0 =	vshll.u32 v0, $0x4;
	_ =	sdelay $0x3  }
.Ltmp3:
0x34: {  	s17 =	sshra.s32 s16, $0x2;
	s15 =	sadd.s32 $0x800, s15;
	(pc) =	sbr.rel @p1 .LBB2_3-.Ltmp3, $4  }
0x35: {  	[tilespmem:s15], [sflag:$0x1] =	stream.indirect_vreg.gather [hbm:s2], $0x80, v0, vm0, $0x38;
	[tilespmem:$0x18300] =	vst v63  }
0x36: {  	s17 =	sadd.s32 s17, s14;
	s18 =	sadd.s32 $0x400, s15  }
0x37: {  	[tilespmem:s18], [sflag:$0x1] =	stream.indirect_vreg.gather [hbm:s2], $0x80, v0, vm1, $0x38;
	[tilespmem:$0x18300] =	vst v63  }
0x38: {  	s16 =	sadd.s32 $0x40, s16;
	v0 =	vld.msk [tilespmem:s17+$0x0 ss:$0x1], $0xffff  }
0x39: {  	_ =	sdelay $0x3  }
0x3a: {  	vm2 =	vgt.s32 v0, $0x0  }
0x3b: {  	v0 =	vnsel vm2, $0x0, v0  }
0x3c: {  	v0 =	vmin.u32 v0, $0x23FFF  }
0x3d: {  	v0 =	vshll.u32 v0, $0x4;
	_ =	sdelay $0x3  }
0x3e: {  	s14 =	sadd.s32 $0x800, s15  }
0x3f: {  	[tilespmem:s14], [sflag:$0x1] =	stream.indirect_vreg.gather [hbm:s2], $0x80, v0, vm0, $0x38;
	[tilespmem:$0x18300] =	vst v63  }
0x40: {  	s14 =	sadd.s32 $0x400, s14  }
0x41: {  	[tilespmem:s14], [sflag:$0x1] =	stream.indirect_vreg.gather [hbm:s2], $0x80, v0, vm1, $0x38;
	[tilespmem:$0x18300] =	vst v63  }
0x42: {  	s11 =	sshll.u32 s11, $0x4;
	_ =	swait.ge [sflag:s3], $0xC000  }
0x43: {  	s11 =	sadd.s32 s11, s7;
	[sflag:s3] =	ssyncset.done $0x0  }
0x44: {  	s15 =	sadd.s32 $0x0, s11;
	s14 =	simm.s32 $0x80;
	[sflag:s3] =	ssyncadd.s32 $0xFFFF4000  }
.LBB2_5:
0x45: {  	[hbm:s15] =	stream.linear.scatter [tilespmem:s12], [sflag:$0x3], $0x400, $0x38;
	[tilespmem:$0x18300] =	vst v63  }
0x46: {  	s15 =	smov.u32 s14;
	s12 =	smov.u32 s13;
	p1 =	sne.s32 s14, $0x1780  }
.Ltmp4:
0x47: {  	s14 =	sadd.s32 $0x80, s14;
	(pc) =	sbr.rel @p1 .LBB2_5-.Ltmp4, $2  }
0x48: {  	_ =	sdelay $0x2  }
0x49: {  	s13 =	sadd.s32 $0x400, s13;
	s15 =	sadd.s32 s15, s11  }
.Ltmp5:
0x4a: {  	_ = 	snop;
	(pc) =	sbr.rel .LBB2_6-.Ltmp5, $1  }
0x4b: {  	_ =	sdelay $0x3  }
.LBB2_8:
0x4c: {  	_ =	sfence.sel $0x180000  }
0x4d: {  	s2 =	simm.s32 $0x2;
	[bflag:$0x0] =	sbarrier.arrive $0xFFFF  }
0x4e: {  	s30 =	simm.s32 $0x3;
	[sflag:s2] =	ssyncpa.u1 $0x1  }
0x4f: {  	s31 =	simm.s32 $0x1;
	[sflag:s30] =	ssyncpa.u1 $0x1  }
0x50: {  	[sflag:s31] =	ssyncpa.u1 $0x1  }
0x51: {  	p0 =	sne.s32 s1, $0x0;
	_ =	strace $0x90000053  }
0x52: {  	s0 =	sadd.s32 @!p0 $0x100000, s0;
	[bflag:$0x2] =	sbarrier.arrive $0xFFFF  }
0x53: {  	[sflag:s0] =	ssyncadd.tile.s32 @!p0 $0x1;
	_ =	shalt  }
.Lfunc_end2:
_tile_overlayer_lowered:
.L_overlay_start_2:
0x54: {  	(tag) =	ssettag $0x2  }
0x55: {  	s0 =	rddreg [dreg:$0x0];
	s2 =	stileid.u32  }
0x56: {  	s1 =	rddreg [dreg:$0x1];
	p0 =	sne.s32 s2, $0x0  }
0x57: {  	s3 =	rddreg [dreg:$0x2];
	[bflag:$0x3] =	sbarrier.arrive $0xFFFF;
	s2 =	simm.s32 @!p0 $0x1C01  }
0x58: {  	[timem:s3], [sflag:s2] =	dma.local @!p0 [hbm:s0], s1  }
0x59: {  	s0 =	simm.s32 @!p0 $0x1  }
0x5a: {  	_ =	swait.ge @!p0 [sflag:s0], s1  }
0x5b: {  	s1 =	ssub.s32 @!p0 $0x0, s1;
	[sflag:s0] =	ssyncset.done @!p0 $0x0  }
0x5c: {  	[sflag:s0] =	ssyncadd.s32 @!p0 s1  }
0x5d: {  	[bflag:$0x3] =	sbarrier.arrive $0xFFFF  }
0x5e: {  	_ =	shalt  }

// kernel: scatter_offload_async_start
scs
__scs_entry_jumppad:
0x0: {  	(pc) =	sbr.rel $0x88, $3  }
0x1: {  	(tag) =	ssettag $0x0;
	lr =	simm.s32 $0x1  }
0x2: {  	[smem:$0x3F9A] =	sst lr;
	_ =	strace $0xD0000000  }
0x3: {  	_ = 	snop  }
0x4: {  	_ = 	snop  }
0x5: {  	_ = 	snop  }
0x6: {  	_ = 	snop  }
0x7: {  	_ = 	snop  }
__scs_overlays_trampoline_lowered:
0x8: {  	[smem:$0x3FA9] =	sst s0  }
0x9: {  	[smem:$0x3FAA] =	sst s1  }
0xa: {  	[smem:$0x3FAB] =	sst s2  }
0xb: {  	[smem:$0x3FAC] =	sst s3  }
0xc: {  	[smem:$0x3FAD] =	sst s4  }
0xd: {  	[smem:$0x3FAE] =	sst s5  }
0xe: {  	[smem:$0x3FAF] =	sst s6  }
0xf: {  	[smem:$0x3FB0] =	sst s7  }
0x10: {  	[smem:$0x3FB1] =	sst s8  }
0x11: {  	[smem:$0x3FB2] =	sst s9;
	s0 =	simm.s32 @!p0 $0x0  }
0x12: {  	s1 =	sld [smem:$0x3F98];
	s0 =	simm.s32 @p0 $0x1  }
0x13: {  	[smem:$0x3FB3] =	sst s0;
	s0 =	simm.s32 @!p1 $0x0  }
0x14: {  	s2 =	sld [smem:$0x3F97];
	s0 =	simm.s32 @p1 $0x1  }
0x15: {  	[smem:$0x3FB4] =	sst s0;
	s0 =	simm.s32 @!p2 $0x0  }
0x16: {  	s3 =	sld [smem:$0x3FDB];
	s0 =	simm.s32 @p2 $0x1  }
0x17: {  	s4 =	simm.s32 $0x1BF5;
	[smem:$0x3FB6] =	sst s0  }
0x18: {  	s0 =	sld [smem:$0x3F99];
	_ =	swait.ge [sflag:s4], $0x0  }
0x19: {  	s7 =	sld [smem:$0x3F9A]  }
0x1a: {  	s8 =	sadd.s32 $0xFFFFE003, lr  }
0x1b: {  	s9 =	sadd.s32 $0xFFFFFEF7, lr;
	s5 =	simm.s32 $0xFFFFFFFF;
	p2 =	slt.u32 s8, $0xFFFFF086  }
0x1c: {  	p1 =	slt.u32 s9, $0xF7A;
	s5 =	simm.s32 @!p2 $0x0  }
0x1d: {  	s5 =	simm.s32 @p1 $0x1;
	p0 =	seq.s32 s7, s2  }
0x1e: {  	s7 =	smul.u32 @!p0 $0xF7A, s2;
	p2 =	seq.s32 @!p0 s5, $0x0  }
0x1f: {  	s9 =	smul.u32 $0xF7A, s1;
	s8 =	simm.s32 @!p0 $0x1BF5;
	p2 =	por !p2, p0  }
0x20: {  	[sflag:s8] =	ssyncset.s32 @!p0 $0xFFFFF086;
	s6 =	sadd.s32 @!p0 s3, s7;
	s7 =	simm.s32 @!p0 $0x108  }
0x21: {  	s3 =	sadd.s32 s3, s9;
	s6 =	sadd.s32 @!p0 $0x88, s6;
	s7 =	simm.s32 @p2 $0x1082  }
0x22: {  	[simem:s7], [sflag:s8] =	dma.local @!p0 [hbm:s6], $0xF7A  }
0x23: {  	s9 =	sor.u32 $0xD0000000, s2;
	s6 =	simm.s32 $0x108;
	_ =	swait.ge @!p0 [sflag:s8], $0x0  }
0x24: {  	s3 =	sadd.s32 $0x88, s3;
	s6 =	simm.s32 @!p1 $0x1082;
	[sflag:s4] =	ssyncset.s32 $0xFFFFF086  }
0x25: {  	[simem:s6], [sflag:s4] =	dma.local [hbm:s3], $0xF7A  }
0x26: {  	[smem:$0x3F9A] =	sst s1;
	(tag) =	ssettag s2;
	_ =	strace s9  }
0x27: {  	s1 =	sld [smem:$0x3FAA]  }
0x28: {  	s2 =	sld [smem:$0x3FAB]  }
0x29: {  	s4 =	sld [smem:$0x3FAD]  }
0x2a: {  	p0 =	seq.s32 s5, $0x0;
	s5 =	sld [smem:$0x3FAE]  }
0x2b: {  	s6 =	sld [smem:$0x3FAF]  }
0x2c: {  	s7 =	sld [smem:$0x3FB0]  }
0x2d: {  	s3 =	simm.s32 $0x108;
	s8 =	sld [smem:$0x3FB1]  }
0x2e: {  	s3 =	simm.s32 @!p0 $0x1082;
	s9 =	sld [smem:$0x3FB2]  }
0x2f: {  	lr =	sadd.s32 s0, s3;
	s0 =	sld [smem:$0x3FA9]  }
0x30: {  	s3 =	sld [smem:$0x3FAC]  }
0x31: {  	[smem:$0x3FB5] =	sst s10  }
0x32: {  	s10 =	sld [smem:$0x3FB3];
	_ =	sdelay $0x3  }
0x33: {  	p0 =	seq.s32 s10, $0x1;
	s10 =	sld [smem:$0x3FB5];
	_ =	sdelay $0x3  }
0x34: {  	[smem:$0x3FB5] =	sst s10  }
0x35: {  	s10 =	sld [smem:$0x3FB4];
	_ =	sdelay $0x3  }
0x36: {  	p1 =	seq.s32 s10, $0x1;
	s10 =	sld [smem:$0x3FB5];
	_ =	sdelay $0x3  }
0x37: {  	[smem:$0x3FB5] =	sst s10  }
0x38: {  	s10 =	sld [smem:$0x3FB6]  }
0x39: {  	_ = 	snop;
	(pc) =	sbr.ind lr, $3  }
0x3a: {  	_ = 	snop  }
0x3b: {  	_ = 	snop  }
0x3c: {  	p2 =	seq.s32 s10, $0x1;
	s10 =	sld [smem:$0x3FB5]  }
0x3d: {  	_ =	shalt  }
0x3e: {  	_ =	shalt  }
0x3f: {  	_ =	shalt  }
0x40: {  	_ =	shalt  }
0x41: {  	_ =	shalt  }
0x42: {  	_ =	shalt  }
0x43: {  	_ =	shalt  }
0x44: {  	_ =	shalt  }
0x45: {  	_ =	shalt  }
0x46: {  	_ =	shalt  }
0x47: {  	_ =	shalt  }
0x48: {  	_ =	shalt  }
0x49: {  	_ =	shalt  }
0x4a: {  	_ =	shalt  }
0x4b: {  	_ =	shalt  }
0x4c: {  	_ =	shalt  }
0x4d: {  	_ =	shalt  }
0x4e: {  	_ =	shalt  }
0x4f: {  	_ =	shalt  }
0x50: {  	_ =	shalt  }
0x51: {  	_ =	shalt  }
0x52: {  	_ =	shalt  }
0x53: {  	_ =	shalt  }
0x54: {  	_ =	shalt  }
0x55: {  	_ =	shalt  }
0x56: {  	_ =	shalt  }
0x57: {  	_ =	shalt  }
0x58: {  	_ =	shalt  }
0x59: {  	_ =	shalt  }
0x5a: {  	_ =	shalt  }
0x5b: {  	_ =	shalt  }
0x5c: {  	_ =	shalt  }
0x5d: {  	_ =	shalt  }
0x5e: {  	_ =	shalt  }
0x5f: {  	_ =	shalt  }
0x60: {  	_ =	shalt  }
0x61: {  	_ =	shalt  }
0x62: {  	_ =	shalt  }
0x63: {  	_ =	shalt  }
0x64: {  	_ =	shalt  }
0x65: {  	_ =	shalt  }
0x66: {  	_ =	shalt  }
0x67: {  	_ =	shalt  }
0x68: {  	_ =	shalt  }
0x69: {  	_ =	shalt  }
0x6a: {  	_ =	shalt  }
0x6b: {  	_ =	shalt  }
0x6c: {  	_ =	shalt  }
0x6d: {  	_ =	shalt  }
0x6e: {  	_ =	shalt  }
0x6f: {  	_ =	shalt  }
0x70: {  	_ =	shalt  }
0x71: {  	_ =	shalt  }
0x72: {  	_ =	shalt  }
0x73: {  	_ =	shalt  }
0x74: {  	_ =	shalt  }
0x75: {  	_ =	shalt  }
0x76: {  	_ =	shalt  }
0x77: {  	_ =	shalt  }
0x78: {  	_ =	shalt  }
0x79: {  	_ =	shalt  }
0x7a: {  	_ =	shalt  }
0x7b: {  	_ =	shalt  }
0x7c: {  	_ =	shalt  }
0x7d: {  	_ =	shalt  }
0x7e: {  	_ =	shalt  }
0x7f: {  	_ =	shalt  }
0x80: {  	_ =	shalt  }
0x81: {  	_ =	shalt  }
0x82: {  	_ =	shalt  }
0x83: {  	_ =	shalt  }
0x84: {  	_ =	shalt  }
0x85: {  	_ =	shalt  }
0x86: {  	_ =	shalt  }
0x87: {  	_ =	shalt  }
.Lfunc_end0:
.L_simem_size_0:
called_computation_lowered:
.L_overlay_start_0:
0x88: {  	s0 =	sld [smem:$0x3FD9]  }
0x89: {  	s1 =	sld [smem:$0x3FFE];
	_ =	sdelay $0x3  }
0x8a: {  	s0 =	sadd.s32 s1, s0  }
0x8b: {  	[smem:$0x3FC1] =	sst s0  }
0x8c: {  	_ = 	snop  }
0x8d: {  	(tm) =	ssettm $0x1  }
0x8e: {  	s15 =	sld [smem:$0x3FFB];
	_ =	sdelay $0x3  }
0x8f: {  	_ =	strace s15  }
0x90: {  	s0 =	sld [smem:$0x3FFC];
	_ =	sdelay $0x3  }
0x91: {  	_ =	strace s0  }
0x92: {  	s0 =	sld [smem:$0x3FFD];
	_ =	sdelay $0x3  }
0x93: {  	_ =	strace s0  }
0x94: {  	_ =	strace $0x8FFFFFFF  }
0x95: {  	s16 =	sld [smem:$0x3FDB];
	_ =	sdelay $0x1  }
0x96: {  	s17 =	simm.s32 $_scs_section_size  }
0x97: {  	s2 =	simm.s32 $_size__tile_overlayer_lowered;
	s3 =	simm.s32 $_tile_overlayer_lowered  }
0x98: {  	s20 =	simm.s32 $0x1BFF;
	s19 =	sshll.u32 s3, $0x1;
	s0 =	sadd.s32 s17, s16  }
0x99: {  	s4 =	simm.s32 $0x0;
	s18 =	sshll.u32 s2, $0x1;
	s2 =	sadd.s32 s19, s0  }
0x9a: {  	[timem:s4], [sflag:s20] =	dma.local [hbm:s2], s18  }
0x9b: {  	_ =	swait.ge [sflag:s20], s18  }
0x9c: {  	s1 =	ssub.s32 $0x0, s18;
	[sflag:s20] =	ssyncset.done $0x0  }
0x9d: {  	[sflag:s20] =	ssyncadd.s32 s1;
	_ =	sdelay $0x1  }
0x9e: {  	s21 =	simm.s32 $0x1B8B  }
0x9f: {  	_ =	swait.ge [sflag:s21], $0x1  }
0xa0: {  	[sflag:s21] =	ssyncset.done $0x0  }
0xa1: {  	s23 =	simm.s32 $0x1B8E;
	s22 =	sld [smem:$0x3FFE];
	[sflag:s21] =	ssyncadd.s32 $0xFFFFFFFF  }
0xa2: {  	s24 =	simm.s32 $execute0_lowered;
	[smem:$0x3FD2] =	sst s23  }
0xa3: {  	s2 =	sshll.u32 s24, $0x1;
	_ =	strace $0x80000046;
	[dreg:$0x1] =	wrdreg $0xFFFFFFFF  }
0xa4: {  	s25 =	simm.s32 $_size_execute0_lowered;
	s0 =	sadd.s32 s0, s2;
	[dreg:$0x0] =	wrdreg $0x0  }
0xa5: {  	s2 =	sshll.u32 s25, $0x1;
	[dreg:$0x2] =	wrdreg s0  }
0xa6: {  	[dreg:$0x3] =	wrdreg s2  }
0xa7: {  	[dreg:$0x4] =	wrdreg $0xC0  }
0xa8: {  	_ =	task [dreg:s4], $0x5FFFF  }
0xa9: {  	[dreg:$0x1] =	wrdreg $0xFFFFFFFF  }
0xaa: {  	[dreg:$0x0] =	wrdreg $0x60  }
0xab: {  	[dreg:$0x2] =	wrdreg s22  }
0xac: {  	[dreg:$0x3] =	wrdreg $0xA  }
0xad: {  	_ =	task.clear_ibuf [dreg:s4], $0x4FFFF;
	_ =	strace $0x90000046  }
0xae: {  	s26 =	simm.s32 $0xA;
	_ =	strace $0x80000048  }
0xaf: {  	_ =	swait.ge [sflag:s26], $0x1  }
0xb0: {  	[sflag:s26] =	ssyncadd.s32 $0xFFFFFFFF  }
0xb1: {  	_ =	strace $0x90000048  }
0xb2: {  	_ =	sfence  }
0xb3: {  	s28 =	sld [smem:$0x0];
	_ =	sdelay $0x1  }
0xb4: {  	s29 =	srdreg.scid  }
0xb5: {  	s30 =	sshll.u32 s29, $0xD;
	s31 =	sshrl.u32 s29, $0x2  }
0xb6: {  	s1 =	sand.u32 $0x1, s29;
	s2 =	sand.u32 $0x4000, s30;
	s0 =	sadd.s32 s31, s28  }
0xb7: {  	s1 =	sor.u32 s2, s1;
	s0 =	sshll.u32 s0, $0x11  }
0xb8: {  	s0 =	sor.u32 s0, s1  }
0xb9: {  	s0 =	sadd.s32 $0x8F2B, s0  }
0xba: {  	[sflag:s0] =	ssyncadd.remote.s32 $0x1  }
0xbb: {  	_ =	sfence.sel $0xFFFF  }
0xbc: {  	[dreg:$0x0] =	wrdreg $0xFFFFFFFF;
	(pc) =	sbr.abs _section_cstart, $3  }
0xbd: {  	[dreg:$0x1] =	wrdreg $0xFFFFFFFF  }
0xbe: {  	_ =	task.clear_ibuf [dreg:s4], $0x2FFFF;
	_ =	strace $0x9FFFFFFF  }
0xbf: {  	(tm) =	ssettm $0x7FFFFFFF  }
tec
execute0_lowered:
.L_overlay_start_1:
0x0: {  	(tag) =	ssettag $0x1  }
0x1: {  	s2 =	rddreg [dreg:$0x0]  }
0x2: {  	s0 =	rddreg [dreg:$0x1];
	_ =	strace $0x80000047;
	s3 =	stileid.u32  }
0x3: {  	s4 =	simm.s32 $0x3E;
	s1 =	sadd.s32 $0x6000, s2;
	p0 =	sne.s32 s3, $0x0  }
0x4: {  	[sflag:s4] =	ssyncpa.u1 $0x0;
	s5 =	simm.s32 @!p0 $0x1C3E;
	s6 =	simm.s32 @!p0 $0x0  }
0x5: {  	[spmem:s6], [sflag:s5] =	dma.local @!p0 [hbm:s1], $0xC000  }
0x6: {  	s5 =	simm.s32 @!p0 $0x3E  }
0x7: {  	_ =	swait.ge @!p0 [sflag:s5], $0xC000  }
0x8: {  	[sflag:s5] =	ssyncset.done @!p0 $0x0  }
0x9: {  	s26 =	simm.s32 $0x1;
	[sflag:s5] =	ssyncadd.s32 @!p0 $0xFFFF4000  }
0xa: {  	s28 =	simm.s32 $0x2;
	s7 =	simm.s32 $0x6C00;
	[bflag:$0x0] =	sbarrier.arrive $0xFFFF  }
0xb: {  	s3 =	smul.u32 $0x180, s3;
	s29 =	sadd.s32 $0x4800, s2;
	[sflag:s4] =	ssyncpa.u1 $0x1  }
0xc: {  	s30 =	sadd.s32 $0x12000, s2;
	s2 =	simm.s32 $0x0;
	[sflag:s26] =	ssyncpa.u1 $0x0  }
0xd: {  	s5 =	sadd.s32 s29, s3;
	(ifvalue) =	ssetifvalue $0x60000;
	[sflag:s28] =	ssyncpa.u1 $0x0  }
0xe: {  	[tilespmem:s7], [sflag:$0x2] =	stream.linear.gather [hbm4b:s5+s2], $0xC00, $0x38;
	[tilespmem:$0x9000] =	vst v63  }
0xf: {  	s31 =	sadd.s32 s30, s3;
	s3 =	simm.s32 $0x8400  }
0x10: {  	[tilespmem:s3], [sflag:$0x2] =	stream.linear.gather [hbm4b:s31+s2], $0xC00, $0x38;
	[tilespmem:$0x9000] =	vst v63  }
0x11: {  	_ =	swait.ge [sflag:s28], $0x1800  }
0x12: {  	[sflag:s28] =	ssyncset.done $0x0  }
0x13: {  	[sflag:s28] =	ssyncadd.s32 $0xFFFFE800  }
0x14: {  	v0 =	vld.msk [tilespmem:s7+$0x0 ss:$0x1], $0xffff;
	_ =	sdelay $0x4  }
0x15: {  	v0 =	vmin.u32 v0, $0x60000;
	_ =	sdelay $0x3  }
0x16: {  	vm0 =	vmmov $0xffff;
	s4 =	simm.s32 $0x0;
	s5 =	simm.s32 $0x6C10  }
0x17: {  	[spmem:s2] =	stream.indirect_vreg.scatter.add.s32 [tilespmem:s3], [sflag:$0x1], $0x1, v0, vm0, $0x4038;
	[tilespmem:$0x9000] =	vst v63  }
.LBB2_1:
0x18: {  	v0 =	vld.msk [tilespmem:s5+$0x0 ss:$0x1], $0xffff;
	s4 =	sadd.s32 $0x10, s4  }
0x19: {  	p1 =	slt.u32 s4, $0xBF0;
	_ =	sdelay $0x4  }
0x1a: {  	v0 =	vmin.u32 v0, $0x60000  }
.Ltmp0:
0x1b: {  	(pc) =	sbr.rel @p1 .LBB2_1-.Ltmp0, $3  }
0x1c: {  	_ =	sdelay $0x1  }
0x1d: {  	s5 =	sadd.s32 $0x10, s5;
	s3 =	sadd.s32 $0x10, s3  }
0x1e: {  	[spmem:s2] =	stream.indirect_vreg.scatter.add.s32 [tilespmem:s3], [sflag:$0x1], $0x1, v0, vm0, $0x4038;
	[tilespmem:$0x9000] =	vst v63  }
0x1f: {  	s2 =	simm.s32 $0x1  }
0x20: {  	_ =	swait.ge [sflag:s2], $0xC00  }
0x21: {  	[sflag:s2] =	ssyncset.done $0x0  }
0x22: {  	[sflag:s2] =	ssyncadd.s32 $0xFFFFF400  }
0x23: {  	_ =	sfence.sel $0x180000  }
0x24: {  	s3 =	simm.s32 $0x2;
	[bflag:$0x0] =	sbarrier.arrive $0xFFFF  }
0x25: {  	[sflag:s3] =	ssyncpa.u1 $0x1  }
0x26: {  	[sflag:s2] =	ssyncpa.u1 $0x1  }
0x27: {  	_ =	sfence.stream.spmem  }
0x28: {  	s31 =	simm.s32 $0x3D;
	[bflag:$0x0] =	sbarrier.arrive $0xFFFF  }
0x29: {  	s2 =	simm.s32 @p0 $0x3D;
	[sflag:s31] =	ssyncpa.u1 $0x0  }
0x2a: {  	[sflag:s2] =	ssyncpa.u1 @p0 $0x1  }
0x2b: {  	[bflag:$0x0] =	sbarrier.arrive @p0 $0xFFFF  }
0x2c: {  	_ =	strace @p0 $0x90000047  }
0x2d: {  	s3 =	simm.s32 @!p0 $0x1C3D;
	s2 =	simm.s32 @!p0 $0x0;
	[bflag:$0x2] =	sbarrier.arrive @p0 $0xFFFF  }
0x2e: {  	[hbm:s1], [sflag:s3] =	dma.local @!p0 [spmem:s2], $0xC000  }
0x2f: {  	s1 =	simm.s32 @!p0 $0x3D  }
0x30: {  	_ =	swait.ge @!p0 [sflag:s1], $0xC000  }
0x31: {  	[sflag:s1] =	ssyncset.done @!p0 $0x0  }
0x32: {  	[sflag:s1] =	ssyncadd.s32 @!p0 $0xFFFF4000  }
0x33: {  	[sflag:s1] =	ssyncpa.u1 @!p0 $0x1  }
0x34: {  	[bflag:$0x0] =	sbarrier.arrive @!p0 $0xFFFF  }
0x35: {  	_ =	strace @!p0 $0x90000047  }
0x36: {  	s0 =	sadd.s32 @!p0 $0x100000, s0;
	[bflag:$0x2] =	sbarrier.arrive @!p0 $0xFFFF  }
0x37: {  	[sflag:s0] =	ssyncadd.tile.s32 @!p0 $0x1;
	_ =	shalt  }
.Lfunc_end2:
_tile_overlayer_lowered:
.L_overlay_start_2:
0x38: {  	(tag) =	ssettag $0x2  }
0x39: {  	s0 =	rddreg [dreg:$0x0];
	s2 =	stileid.u32  }
0x3a: {  	s1 =	rddreg [dreg:$0x1];
	p0 =	sne.s32 s2, $0x0  }
0x3b: {  	s3 =	rddreg [dreg:$0x2];
	[bflag:$0x3] =	sbarrier.arrive $0xFFFF;
	s2 =	simm.s32 @!p0 $0x1C01  }
0x3c: {  	[timem:s3], [sflag:s2] =	dma.local @!p0 [hbm:s0], s1  }
0x3d: {  	s0 =	simm.s32 @!p0 $0x1  }
0x3e: {  	_ =	swait.ge @!p0 [sflag:s0], s1  }
0x3f: {  	s1 =	ssub.s32 @!p0 $0x0, s1;
	[sflag:s0] =	ssyncset.done @!p0 $0x0  }
0x40: {  	[sflag:s0] =	ssyncadd.s32 @!p0 s1  }
0x41: {  	[bflag:$0x3] =	sbarrier.arrive $0xFFFF  }
0x42: {  	_ =	shalt  }

// kernel: sparse-core-data-format-call.1.cloned.1.call-start
scs
called_computation.2_lowered:
.L_overlay_start_0:
0x0: {  	s2 =	sld [smem:$0x3FD9]  }
0x1: {  	s3 =	sld [smem:$0x3FFE];
	_ =	sdelay $0x1  }
0x2: {  	s1 =	srdreg.scid  }
0x3: {  	s0 =	sand.u32 $0x1, s1  }
0x4: {  	s15 =	sshll.u32 s0, $0xA;
	s2 =	sadd.s32 s3, s2  }
0x5: {  	s2 =	sadd.s32 s2, s15  }
0x6: {  	[smem:$0x3FC1] =	sst s2  }
0x7: {  	_ = 	snop  }
0x8: {  	s2 =	sld [smem:$0x3FD0];
	_ =	sdelay $0x2  }
0x9: {  	s16 =	simm.s32 $0xC;
	s4 =	simm.s32 $0x10  }
0xa: {  	[smem:s4], [sflag:s16] =	dma.local [hbm:s2], $0x1  }
0xb: {  	_ =	swait.eq [sflag:s16], $0x1  }
0xc: {  	[sflag:s16] =	ssyncset.done $0x0  }
0xd: {  	[sflag:s16] =	ssyncadd.s32 $0xFFFFFFFF  }
0xe: {  	s17 =	sld [smem:$0x10];
	(tm) =	ssettm $0x1  }
0xf: {  	s18 =	sld [smem:$0x3FFB];
	_ =	sdelay $0x3  }
0x10: {  	_ =	strace s18  }
0x11: {  	s3 =	sld [smem:$0x3FFC];
	_ =	sdelay $0x3  }
0x12: {  	_ =	strace s3  }
0x13: {  	s3 =	sld [smem:$0x3FFD];
	_ =	sdelay $0x3  }
0x14: {  	_ =	strace s3  }
0x15: {  	_ =	strace $0x8FFFFFFF  }
0x16: {  	s19 =	sld [smem:$0x3FDB];
	_ =	sdelay $0x1  }
0x17: {  	s20 =	simm.s32 $_scs_section_size  }
0x18: {  	s5 =	simm.s32 $_size__tile_overlayer_lowered;
	s6 =	simm.s32 $_tile_overlayer_lowered  }
0x19: {  	s23 =	simm.s32 $0x1BFF;
	s22 =	sshll.u32 s6, $0x1;
	s3 =	sadd.s32 s20, s19  }
0x1a: {  	s7 =	simm.s32 $0x0;
	s21 =	sshll.u32 s5, $0x1;
	s5 =	sadd.s32 s22, s3  }
0x1b: {  	[timem:s7], [sflag:s23] =	dma.local [hbm:s5], s21  }
0x1c: {  	_ =	swait.ge [sflag:s23], s21  }
0x1d: {  	s4 =	ssub.s32 $0x0, s21;
	[sflag:s23] =	ssyncset.done $0x0  }
0x1e: {  	[sflag:s23] =	ssyncadd.s32 s4;
	_ =	sdelay $0x1  }
0x1f: {  	s24 =	simm.s32 $0x1B8B  }
0x20: {  	_ =	swait.ge [sflag:s24], $0x1  }
0x21: {  	[sflag:s24] =	ssyncset.done $0x0  }
0x22: {  	s26 =	simm.s32 $0x1B8E;
	s25 =	sld [smem:$0x3FFE];
	[sflag:s24] =	ssyncadd.s32 $0xFFFFFFFF  }
0x23: {  	s27 =	simm.s32 $execute0_lowered;
	[smem:$0x3FD2] =	sst s26  }
0x24: {  	s5 =	sshll.u32 s27, $0x1;
	_ =	strace $0x80000055;
	[dreg:$0x1] =	wrdreg $0xFFFFFFFF  }
0x25: {  	s28 =	simm.s32 $_size_execute0_lowered;
	s3 =	sadd.s32 s3, s5;
	[dreg:$0x0] =	wrdreg $0x0  }
0x26: {  	s5 =	sshll.u32 s28, $0x1;
	[dreg:$0x2] =	wrdreg s3  }
0x27: {  	[dreg:$0x3] =	wrdreg s5  }
0x28: {  	[dreg:$0x4] =	wrdreg $0xC0  }
0x29: {  	_ =	task [dreg:s7], $0x5FFFF  }
0x2a: {  	[dreg:$0x1] =	wrdreg $0xFFFFFFFF  }
0x2b: {  	[dreg:$0x0] =	wrdreg $0x60  }
0x2c: {  	[dreg:$0x2] =	wrdreg s25  }
0x2d: {  	[dreg:$0x3] =	wrdreg s17  }
0x2e: {  	[dreg:$0x4] =	wrdreg $0xA  }
0x2f: {  	_ =	task.clear_ibuf [dreg:s7], $0x5FFFF;
	_ =	strace $0x90000055  }
0x30: {  	s29 =	simm.s32 $0xA;
	_ =	strace $0x80000057  }
0x31: {  	_ =	swait.ge [sflag:s29], $0x1  }
0x32: {  	[sflag:s29] =	ssyncadd.s32 $0xFFFFFFFF  }
0x33: {  	_ =	strace $0x90000057  }
0x34: {  	_ =	sfence  }
0x35: {  	s30 =	sld [smem:$0x0];
	_ =	sdelay $0x2  }
0x36: {  	s31 =	sshll.u32 s1, $0xD;
	s1 =	sshrl.u32 s1, $0x2  }
0x37: {  	s3 =	sand.u32 $0x4000, s31;
	s1 =	sadd.s32 s1, s30  }
0x38: {  	s0 =	sor.u32 s3, s0;
	s1 =	sshll.u32 s1, $0x11  }
0x39: {  	s0 =	sor.u32 s1, s0  }
0x3a: {  	s0 =	sadd.s32 $0x8F2B, s0  }
0x3b: {  	[sflag:s0] =	ssyncadd.remote.s32 $0x1  }
0x3c: {  	_ =	sfence.sel $0xFFFF  }
0x3d: {  	[dreg:$0x0] =	wrdreg $0xFFFFFFFF;
	(pc) =	sbr.abs _section_cstart, $3  }
0x3e: {  	[dreg:$0x1] =	wrdreg $0xFFFFFFFF  }
0x3f: {  	_ =	task.clear_ibuf [dreg:s7], $0x2FFFF;
	_ =	strace $0x9FFFFFFF  }
0x40: {  	(tm) =	ssettm $0x7FFFFFFF  }
0x41: {  	_ =	shalt  }
tec
execute0_lowered:
.L_overlay_start_1:
0x0: {  	(tag) =	ssettag $0x1  }
0x1: {  	s0 =	srdreg.scid  }
0x2: {  	s1 =	sshll.u32 s0, $0x4  }
0x3: {  	s0 =	stileid.u32;
	s1 =	sand.u32 $0x10, s1  }
0x4: {  	s7 =	rddreg [dreg:$0x0];
	s1 =	sor.u32 s0, s1  }
0x5: {  	s4 =	simm.s32 $0x1;
	s8 =	simm.s32 $0x2;
	s2 =	sshll.u32 s1, $0x1  }
0x6: {  	s13 =	simm.s32 $0x0;
	s9 =	simm.s32 $0x24000;
	s1 =	ssub.s32 $0x180, s2  }
0x7: {  	s14 =	simm.s32 $0x0;
	s10 =	simm.s32 $0x0;
	s3 =	sand.u32 $0x3E, s1  }
0x8: {  	s12 =	simm.s32 $0x0;
	s5 =	sshrl.u32 s1, $0x6;
	p0 =	sne.s32 s3, $0x0  }
.Ltmp0:
0x9: {  	s1 =	rddreg [dreg:$0x2];
	s4 =	simm.s32 @!p0 $0x0;
	(pc) =	sbr.rel .LBB1_1-.Ltmp0, $4  }
0xa: {  	s6 =	sadd.s32 $0x1A8800, s7;
	s3 =	rddreg [dreg:$0x1];
	s5 =	sadd.s32 s4, s5  }
0xb: {  	_ =	strace $0x80000056;
	s4 =	simm.s32 $0x1;
	s5 =	smul.u32 $0x3, s5  }
0xc: {  	s7 =	sadd.s32 $0x1AA000, s7;
	s11 =	smov.u32 s2;
	[sflag:s4] =	ssyncpa.u1 $0x0  }
0xd: {  	p0 =	por $0x0, $0x0;
	[sflag:s8] =	ssyncpa.u1 $0x0;
	s8 =	sadd.s32 $0x1, s5  }
.LBB1_7:
0xe: {  	s15 =	sadd.s32 $0x80, s10  }
0xf: {  	s13 =	sadd.s32 $0x40, s11;
	s17 =	smov.u32 s11;
	p2 =	sgt.s32 s15, $0x17F  }
0x10: {  	s17 =	smov.u32 @p2 s13  }
0x11: {  	s15 =	simm.s32 @p2 $0x0;
	p2 =	sgt.s32 s17, $0x17F  }
0x12: {  	s17 =	smov.u32 @p2 s2;
	p2 =	sne.s32 s12, s8  }
.Ltmp1:
0x13: {  	p1 =	slt.u32 s12, $0x2;
	(pc) =	sbr.rel @!p2 .LBB1_8-.Ltmp1, $4  }
0x14: {  	s16 =	simm.s32 @!p1 $0x2  }
0x15: {  	s14 =	smov.u32 s11;
	p0 =	por !p0, !p0;
	_ =	swait.ge @!p1 [sflag:s16], $0x4000  }
0x16: {  	s13 =	smov.u32 s10;
	[sflag:s16] =	ssyncset.done @!p1 $0x0;
	s10 =	smov.u32 s15  }
0x17: {  	s12 =	sadd.s32 $0x1, s12;
	[sflag:s16] =	ssyncadd.s32 @!p1 $0xFFFFC000;
	s11 =	smov.u32 s17  }
.LBB1_1:
0x18: {  	p1 =	sge.u32 s12, s5  }
0x19: {  	s15 =	sand.u32 @!p1 $0x1FFFFFF, s10  }
0x1a: {  	s16 =	smulhi.u32 @!p1 $0xAAAAAB, s15;
	_ =	sdelay $0x1  }
0x1b: {  	s16 =	smul.u32 @!p1 $0x180, s16  }
0x1c: {  	s17 =	sxor.u32 @!p1 $0xFFFFFFFF, s12;
	s18 =	smul.u32 @!p1 $0x1800, s11  }
0x1d: {  	s17 =	sshll.u32 @!p1 s17, $0xE;
	s15 =	ssub.s32 @!p1 s15, s16  }
0x1e: {  	s16 =	sand.u32 @!p1 $0x4000, s17;
	s17 =	sadd.s32 @!p1 s6, s18;
	s15 =	sshll.u32 @!p1 s15, $0x4  }
0x1f: {  	s19 =	simm.s32 @!p1 $0x40;
	s20 =	simm.s32 @!p1 $0x80;
	s17 =	sadd.s32 @!p1 s15, s17  }
0x20: {  	[tilespmem:s16], [sflag:$0x1] =	stream.strided.gather @!p1 [hbm4b:s17+s19], $0x2000, s20, s19, $0x38;
	[tilespmem:$0x10100] =	vst v63  }
0x21: {  	s17 =	sadd.s32 @!p1 s18, s7  }
0x22: {  	s31 =	sadd.s32 $0xFFFFFFFF, s12;
	s16 =	sor.u32 @!p1 $0x2000, s16;
	s15 =	sadd.s32 @!p1 s15, s17  }
0x23: {  	[tilespmem:s16], [sflag:$0x1] =	stream.strided.gather @!p1 [hbm4b:s15+s19], $0x2000, s20, s19, $0x38;
	[tilespmem:$0x10100] =	vst v63  }
0x24: {  	p1 =	sge.u32 s31, s5  }
.Ltmp2:
0x25: {  	_ = 	snop;
	(pc) =	sbr.rel @p1 .LBB1_7-.Ltmp2, $1  }
0x26: {  	_ =	sdelay $0x3  }
0x27: {  	s15 =	simm.s32 $0x1;
	s17 =	sand.u32 $0x1, s12  }
0x28: {  	_ =	swait.ge [sflag:s4], $0x4000;
	s15 =	simm.s32 @!p0 $0x0;
	s17 =	smul.u32 $0x10200, s17  }
0x29: {  	p2 =	por $0x1, $0x1;
	[sflag:s4] =	ssyncset.done $0x0;
	s16 =	smul.u32 $0x10200, s15  }
0x2a: {  	s18 =	sshll.u32 s15, $0x10;
	[sflag:s4] =	ssyncadd.s32 $0xFFFFC000;
	s30 =	sshrl.u32 s17, $0x2  }
0x2b: {  	s31 =	sshrl.u32 s18, $0x2;
	s18 =	simm.s32 $0x0;
	s16 =	sshrl.u32 s16, $0x2  }
0x2c: {  	s15 =	sor.u32 $0x8000, s30;
	s17 =	sadd.s32 $0x20, s31;
	s16 =	sor.u32 $0x8000, s16  }
.LBB1_3:
0x2d: {  	s19 =	sshll.u32 s18, $0xD  }
0x2e: {  	s19 =	sand.u32 $0x3FFFE000, s19  }
0x2f: {  	s21 =	sadd.s32 s19, s17  }
0x30: {  	s31 =	smul.u32 $0x204, s18;
	v3 =	vld [tilespmem:s21+$0x10]  }
0x31: {  	v1 =	vld [tilespmem:s21+$0xFFFFFFF0]  }
0x32: {  	s18 =	sshra.s32 s31, $0x2;
	v0 =	vld [tilespmem:s21+$0x0]  }
0x33: {  	s18 =	sadd.s32 s18, s16;
	v2 =	vld [tilespmem:s21+$0xFFFFFFE0]  }
0x34: {  	s19 =	sadd.s32 $0x0, s18  }
0x35: {  	p1 =	por p2, p2;
	s20 =	simm.s32 $0x4;
	s21 =	sadd.s32 $0x40, s21;
	[tilespmem:s19+$0x3060 ss:$0x102] =	vst.msk $0xffff, v3  }
.LBB1_4:
0x36: {  	v3 =	vld [tilespmem:s21+$0x10];
	p2 =	sne.s32 s20, $0x1FC;
	[tilespmem:s19+$0x1020 ss:$0x102] =	vst.msk $0xffff, v1;
	s22 =	smov.u32 s20;
	s20 =	sadd.s32 $0x4, s20  }
.Ltmp3:
0x37: {  	v1 =	vld [tilespmem:s21+$0xFFFFFFF0];
	[tilespmem:s19+$0x2040 ss:$0x102] =	vst.msk $0xffff, v0;
	(pc) =	sbr.rel @p2 .LBB1_4-.Ltmp3, $4  }
0x38: {  	v0 =	vld [tilespmem:s21+$0x0];
	[tilespmem:s19+$0x0 ss:$0x102] =	vst.msk $0xffff, v2  }
0x39: {  	s19 =	sshra.s32 s22, $0x2;
	v2 =	vld [tilespmem:s21+$0xFFFFFFE0]  }
0x3a: {  	s19 =	sadd.s32 s19, s18  }
0x3b: {  	s21 =	sadd.s32 $0x40, s21;
	[tilespmem:s19+$0x3060 ss:$0x102] =	vst.msk $0xffff, v3  }
.Ltmp4:
0x3c: {  	(pc) =	sbr.rel @p1 .LBB1_3-.Ltmp4, $4  }
0x3d: {  	_ = 	snop  }
0x3e: {  	[tilespmem:s19+$0x1020 ss:$0x102] =	vst.msk $0xffff, v1  }
0x3f: {  	[tilespmem:s19+$0x2040 ss:$0x102] =	vst.msk $0xffff, v0  }
0x40: {  	s18 =	simm.s32 $0x1;
	p2 =	por $0x0, $0x0;
	[tilespmem:s19+$0x0 ss:$0x102] =	vst.msk $0xffff, v2  }
0x41: {  	s16 =	sshrl.u32 s14, $0x3  }
0x42: {  	s17 =	sshll.u32 s13, $0x3;
	s16 =	smul.u32 $0xC00, s16  }
0x43: {  	s28 =	sshll.u32 s14, $0x7;
	s17 =	sand.u32 $0xFFFFFC00, s17  }
0x44: {  	s14 =	sand.u32 $0x380, s28;
	s16 =	sadd.s32 s16, s17  }
0x45: {  	s29 =	sand.u32 $0x7F, s13;
	s14 =	sor.u32 s14, s16  }
0x46: {  	s13 =	sor.u32 s29, s14;
	s14 =	smulhi.u32 $0xAAAAAAAB, s14  }
0x47: {  	s30 =	smulhi.u32 $0xAAAAAAAB, s13  }
0x48: {  	s14 =	sshrl.u32 s14, $0x8  }
0x49: {  	s16 =	sshrl.u32 s30, $0x8;
	s31 =	smulhi.u32 $0xAAAAAB, s14  }
0x4a: {  	s16 =	smul.u32 $0x180, s16  }
0x4b: {  	s17 =	smul.u32 $0x180, s31;
	_ =	sdelay $0x1  }
.Ltmp5:
0x4c: {  	s13 =	ssub.s32 s13, s16;
	s14 =	ssub.s32 s14, s17;
	(pc) =	sbr.rel .LBB1_7-.Ltmp5, $4  }
0x4d: {  	s16 =	sshrl.u32 s13, $0x3;
	s13 =	sand.u32 $0x7, s13;
	s14 =	smul.u32 $0x30, s14  }
0x4e: {  	s16 =	sadd.s32 s3, s16;
	s13 =	sshll.u32 s13, $0x12  }
0x4f: {  	s13 =	sor.u32 $0x100, s13;
	s14 =	sadd.s32 s14, s16  }
0x50: {  	[hbm4b:s14+s13] =	stream.strided.scatter [tilespmem:s15], [sflag:$0x2], $0x4000, s9, s13, $0x20;
	[tilespmem:$0x10100] =	vst v63  }
.LBB1_8:
0x51: {  	_ =	sfence.sel $0x180000  }
0x52: {  	s2 =	simm.s32 $0x1;
	[bflag:$0x0] =	sbarrier.arrive $0xFFFF  }
0x53: {  	s31 =	simm.s32 $0x2;
	[sflag:s2] =	ssyncpa.u1 $0x1  }
0x54: {  	[sflag:s31] =	ssyncpa.u1 $0x1  }
0x55: {  	p0 =	sne.s32 s0, $0x0;
	_ =	strace $0x90000056  }
0x56: {  	s0 =	sadd.s32 @!p0 $0x100000, s1;
	[bflag:$0x2] =	sbarrier.arrive $0xFFFF  }
0x57: {  	[sflag:s0] =	ssyncadd.tile.s32 @!p0 $0x1;
	_ =	shalt  }
.Lfunc_end1:
_tile_overlayer_lowered:
.L_overlay_start_2:
0x58: {  	(tag) =	ssettag $0x2  }
0x59: {  	s0 =	rddreg [dreg:$0x0];
	s2 =	stileid.u32  }
0x5a: {  	s1 =	rddreg [dreg:$0x1];
	p0 =	sne.s32 s2, $0x0  }
0x5b: {  	s3 =	rddreg [dreg:$0x2];
	[bflag:$0x3] =	sbarrier.arrive $0xFFFF;
	s2 =	simm.s32 @!p0 $0x1C01  }
0x5c: {  	[timem:s3], [sflag:s2] =	dma.local @!p0 [hbm:s0], s1  }
0x5d: {  	s0 =	simm.s32 @!p0 $0x1  }
0x5e: {  	_ =	swait.ge @!p0 [sflag:s0], s1  }
0x5f: {  	s1 =	ssub.s32 @!p0 $0x0, s1;
	[sflag:s0] =	ssyncset.done @!p0 $0x0  }
0x60: {  	[sflag:s0] =	ssyncadd.s32 @!p0 s1  }
0x61: {  	[bflag:$0x3] =	sbarrier.arrive $0xFFFF  }
0x62: {  	_ =	shalt  }

// kernel: sparse-core-data-format-call.2.cloned.1.call-start
scs
called_computation.3_lowered:
.L_overlay_start_0:
0x0: {  	s2 =	sld [smem:$0x3FD9]  }
0x1: {  	s3 =	sld [smem:$0x3FFE];
	_ =	sdelay $0x1  }
0x2: {  	s1 =	srdreg.scid  }
0x3: {  	s0 =	sand.u32 $0x1, s1  }
0x4: {  	s17 =	sshll.u32 s0, $0xA;
	s2 =	sadd.s32 s3, s2  }
0x5: {  	s2 =	sadd.s32 s2, s17  }
0x6: {  	[smem:$0x3FC1] =	sst s2  }
0x7: {  	_ = 	snop  }
0x8: {  	s18 =	sld [smem:$0x3FD0];
	_ =	sdelay $0x2  }
0x9: {  	s4 =	simm.s32 $0xC;
	s5 =	simm.s32 $0x10;
	s2 =	sld [smem:$0x3FC9]  }
0xa: {  	[smem:s5], [sflag:s4] =	dma.local [hbm:s18], $0x1  }
0xb: {  	_ =	swait.eq [sflag:s4], $0x1  }
0xc: {  	[sflag:s4] =	ssyncset.done $0x0  }
0xd: {  	[sflag:s4] =	ssyncadd.s32 $0xFFFFFFFF  }
0xe: {  	s19 =	sld [smem:$0x11];
	(tm) =	ssettm $0x1  }
0xf: {  	s20 =	sld [smem:$0x3FFB];
	_ =	sdelay $0x3  }
0x10: {  	_ =	strace s20  }
0x11: {  	s3 =	sld [smem:$0x3FFC];
	_ =	sdelay $0x3  }
0x12: {  	_ =	strace s3  }
0x13: {  	s3 =	sld [smem:$0x3FFD];
	_ =	sdelay $0x3  }
0x14: {  	_ =	strace s3  }
0x15: {  	_ =	strace $0x8FFFFFFF  }
0x16: {  	s21 =	sld [smem:$0x3FDB];
	_ =	sdelay $0x1  }
0x17: {  	s22 =	simm.s32 $_scs_section_size  }
0x18: {  	s6 =	simm.s32 $_size__tile_overlayer_lowered;
	s7 =	simm.s32 $_tile_overlayer_lowered  }
0x19: {  	s8 =	simm.s32 $0x1BFF;
	s23 =	sshll.u32 s7, $0x1;
	s5 =	sadd.s32 s22, s21  }
0x1a: {  	s24 =	simm.s32 $0x0;
	s6 =	sshll.u32 s6, $0x1;
	s7 =	sadd.s32 s23, s5  }
0x1b: {  	[timem:s24], [sflag:s8] =	dma.local [hbm:s7], s6  }
0x1c: {  	_ =	swait.ge [sflag:s8], s6  }
0x1d: {  	s6 =	ssub.s32 $0x0, s6;
	[sflag:s8] =	ssyncset.done $0x0  }
0x1e: {  	[sflag:s8] =	ssyncadd.s32 s6;
	_ =	sdelay $0x1  }
0x1f: {  	s25 =	simm.s32 $0x1B8B  }
0x20: {  	_ =	swait.ge [sflag:s25], $0x1  }
0x21: {  	[sflag:s25] =	ssyncset.done $0x0  }
0x22: {  	[sflag:s25] =	ssyncadd.s32 $0xFFFFFFFF  }
0x23: {  	s6 =	sld [smem:$0x0]  }
0x24: {  	s7 =	sand.u32 $0xFFFFFFFE, s1  }
0x25: {  	p0 =	sne.s32 s1, s7  }
0x26: {  	s7 =	sshll.u32 @p0 s7, $0xE  }
0x27: {  	s7 =	sadd.s32 @p0 $0x11B8D, s7;
	s8 =	sshll.u32 @p0 s6, $0x11  }
0x28: {  	s7 =	sor.u32 @p0 s8, s7  }
0x29: {  	[sflag:s7] =	ssyncadd.remote.s32 @p0 $0x1;
	_ =	sdelay $0x1  }
0x2a: {  	s7 =	simm.s32 @p0 $0x1B8D  }
0x2b: {  	_ =	swait.eq @p0 [sflag:s7], $0x1  }
0x2c: {  	[sflag:s7] =	ssyncadd.s32 @p0 $0xFFFFFFFF  }
0x2d: {  	s8 =	sshll.u32 @!p0 s1, $0xE  }
0x2e: {  	s8 =	sor.u32 @!p0 $0x4000, s8;
	s7 =	simm.s32 @!p0 $0x1B8D  }
0x2f: {  	s6 =	sshll.u32 @!p0 s6, $0x11;
	s8 =	sadd.s32 @!p0 $0x11B8D, s8;
	_ =	swait.eq @!p0 [sflag:s7], $0x1  }
0x30: {  	s6 =	sor.u32 @!p0 s6, s8;
	[sflag:s7] =	ssyncadd.s32 @!p0 $0xFFFFFFFF  }
0x31: {  	s26 =	simm.s32 $0x1B8E;
	[sflag:s6] =	ssyncadd.remote.s32 @!p0 $0x1  }
0x32: {  	s27 =	simm.s32 $execute0_lowered;
	[smem:$0x3FD2] =	sst s26  }
0x33: {  	s6 =	sshll.u32 s27, $0x1;
	_ =	strace $0x80000049;
	[dreg:$0x1] =	wrdreg $0xFFFFFFFF  }
0x34: {  	s28 =	simm.s32 $_size_execute0_lowered;
	s5 =	sadd.s32 s5, s6;
	[dreg:$0x0] =	wrdreg $0x0  }
0x35: {  	s6 =	sshll.u32 s28, $0x1;
	[dreg:$0x2] =	wrdreg s5  }
0x36: {  	[dreg:$0x3] =	wrdreg s6  }
0x37: {  	[dreg:$0x4] =	wrdreg $0xC0  }
0x38: {  	_ =	task [dreg:s24], $0x5FFFF  }
0x39: {  	[dreg:$0x1] =	wrdreg $0xFFFFFFFF  }
0x3a: {  	[dreg:$0x0] =	wrdreg $0x60  }
0x3b: {  	[dreg:$0x2] =	wrdreg s2  }
0x3c: {  	[dreg:$0x3] =	wrdreg s19  }
0x3d: {  	[dreg:$0x4] =	wrdreg $0x9  }
0x3e: {  	_ =	task.clear_ibuf [dreg:s24], $0x5FFFF;
	_ =	strace $0x90000049  }
0x3f: {  	s29 =	simm.s32 $0x9;
	_ =	strace $0x8000004B  }
0x40: {  	_ =	swait.ge [sflag:s29], $0x1  }
0x41: {  	[sflag:s29] =	ssyncadd.s32 $0xFFFFFFFF  }
0x42: {  	_ =	strace $0x9000004B  }
0x43: {  	_ =	sfence  }
0x44: {  	s30 =	sld [smem:$0x0];
	_ =	sdelay $0x2  }
0x45: {  	s31 =	sshll.u32 s1, $0xD;
	s1 =	sshrl.u32 s1, $0x2  }
0x46: {  	s4 =	sand.u32 $0x4000, s31;
	s1 =	sadd.s32 s1, s30  }
0x47: {  	s0 =	sor.u32 s4, s0;
	s1 =	sshll.u32 s1, $0x11  }
0x48: {  	s0 =	sor.u32 s1, s0  }
0x49: {  	s0 =	sadd.s32 $0x8F2B, s0  }
0x4a: {  	[sflag:s0] =	ssyncadd.remote.s32 $0x1  }
0x4b: {  	_ =	sfence.sel $0xFFFF  }
0x4c: {  	[dreg:$0x0] =	wrdreg $0xFFFFFFFF;
	(pc) =	sbr.abs _section_cstart, $3  }
0x4d: {  	[dreg:$0x1] =	wrdreg $0xFFFFFFFF  }
0x4e: {  	_ =	task.clear_ibuf [dreg:s24], $0x2FFFF;
	_ =	strace $0x9FFFFFFF  }
0x4f: {  	(tm) =	ssettm $0x7FFFFFFF  }
tec
execute0_lowered:
.L_overlay_start_1:
0x0: {  	(tag) =	ssettag $0x1  }
0x1: {  	s0 =	srdreg.scid  }
0x2: {  	s1 =	sshll.u32 s0, $0x4  }
0x3: {  	s0 =	stileid.u32;
	s1 =	sand.u32 $0x10, s1  }
0x4: {  	s3 =	rddreg [dreg:$0x0];
	s1 =	sor.u32 s0, s1  }
0x5: {  	s4 =	rddreg [dreg:$0x1];
	s6 =	simm.s32 $0x1;
	s2 =	sshll.u32 s1, $0x1  }
0x6: {  	s31 =	simm.s32 $0x2;
	s16 =	simm.s32 $0x0;
	s5 =	ssub.s32 $0x180, s2  }
0x7: {  	s9 =	simm.s32 $0x80;
	s15 =	simm.s32 $0x0;
	s30 =	sand.u32 $0x3E, s5  }
0x8: {  	s14 =	simm.s32 $0x0;
	s10 =	simm.s32 $0x0;
	p0 =	sne.s32 s30, $0x0  }
.Ltmp0:
0x9: {  	s7 =	sshrl.u32 s5, $0x6;
	s6 =	simm.s32 @!p0 $0x0;
	(pc) =	sbr.rel .LBB1_1-.Ltmp0, $4  }
0xa: {  	s12 =	simm.s32 $0x0;
	s1 =	rddreg [dreg:$0x2];
	s6 =	sadd.s32 s6, s7  }
0xb: {  	_ =	strace $0x8000004A;
	s5 =	simm.s32 $0x1;
	s6 =	smul.u32 $0x3, s6  }
0xc: {  	s13 =	simm.s32 $0x0;
	s11 =	smov.u32 s2;
	[sflag:s5] =	ssyncpa.u1 $0x0  }
0xd: {  	[sflag:s31] =	ssyncpa.u1 $0x0;
	s7 =	sadd.s32 $0x1800, s4;
	s8 =	sadd.s32 $0x1, s6  }
.LBB1_7:
0xe: {  	s17 =	sadd.s32 $0x80, s10  }
0xf: {  	s14 =	sadd.s32 $0x40, s11;
	s18 =	smov.u32 s11;
	p1 =	sgt.s32 s17, $0x17F  }
0x10: {  	s18 =	smov.u32 @p1 s14  }
0x11: {  	s20 =	smov.u32 s12;
	s14 =	sadd.s32 $0x40, s12;
	p2 =	sgt.s32 s18, $0x17F  }
0x12: {  	s20 =	smov.u32 @p2 s14  }
0x13: {  	s17 =	simm.s32 @p1 $0x0;
	p1 =	sgt.s32 s20, $0x3F  }
0x14: {  	p0 =	slt.u32 s13, $0x2;
	s20 =	simm.s32 @p1 $0x0;
	p1 =	sne.s32 s13, s8  }
.Ltmp1:
0x15: {  	s19 =	simm.s32 @!p0 $0x2;
	(pc) =	sbr.rel @!p1 .LBB1_8-.Ltmp1, $4  }
0x16: {  	s16 =	smov.u32 s10;
	_ =	swait.ge @!p0 [sflag:s19], $0x4000  }
0x17: {  	s15 =	smov.u32 s11;
	[sflag:s19] =	ssyncset.done @!p0 $0x0;
	s10 =	smov.u32 s17  }
0x18: {  	s18 =	smov.u32 @p2 s2;
	s14 =	smov.u32 s12;
	[sflag:s19] =	ssyncadd.s32 @!p0 $0xFFFFC000  }
0x19: {  	s11 =	smov.u32 s18;
	s13 =	sadd.s32 $0x1, s13;
	s12 =	smov.u32 s20  }
.LBB1_1:
0x1a: {  	p0 =	sge.u32 s13, s6  }
0x1b: {  	s17 =	sshrl.u32 @!p0 s11, $0x3  }
0x1c: {  	s18 =	sshll.u32 @!p0 s10, $0x3;
	s17 =	smul.u32 @!p0 $0xC00, s17  }
0x1d: {  	s19 =	sshll.u32 @!p0 s11, $0x7;
	s18 =	sand.u32 @!p0 $0xFFFFFC00, s18  }
0x1e: {  	s17 =	sadd.s32 @!p0 s17, s18;
	s18 =	sand.u32 @!p0 $0x380, s19  }
0x1f: {  	s17 =	sor.u32 @!p0 s18, s17  }
0x20: {  	s18 =	sand.u32 @!p0 $0x7F, s10;
	s19 =	smulhi.u32 @!p0 $0xAAAAAAAB, s17  }
0x21: {  	s17 =	sor.u32 @!p0 s18, s17  }
0x22: {  	s18 =	smulhi.u32 @!p0 $0xAAAAAAAB, s17;
	s19 =	sshrl.u32 @!p0 s19, $0x8  }
0x23: {  	s20 =	smulhi.u32 @!p0 $0xAAAAAB, s19;
	_ =	sdelay $0x1  }
0x24: {  	s18 =	sshrl.u32 @!p0 s18, $0x8;
	s20 =	smul.u32 @!p0 $0x180, s20  }
0x25: {  	s31 =	sadd.s32 $0xFFFFFFFF, s13;
	s18 =	smul.u32 @!p0 $0x180, s18  }
0x26: {  	s21 =	sxor.u32 @!p0 $0xFFFFFFFF, s13;
	s19 =	ssub.s32 @!p0 s19, s20;
	s20 =	smul.u32 @!p0 $0x4800, s12  }
0x27: {  	s21 =	sshll.u32 @!p0 s21, $0xE;
	s17 =	ssub.s32 @!p0 s17, s18;
	s18 =	smul.u32 @!p0 $0x30, s19  }
0x28: {  	s19 =	sand.u32 @!p0 $0x4000, s21;
	s21 =	sand.u32 @!p0 $0x7, s17;
	s20 =	sadd.s32 @!p0 s3, s20  }
0x29: {  	s17 =	sshrl.u32 @!p0 s17, $0x3;
	s18 =	sadd.s32 @!p0 s18, s20;
	s20 =	sshll.u32 @!p0 s21, $0x12  }
0x2a: {  	s17 =	sadd.s32 @!p0 s17, s18;
	s18 =	sor.u32 @!p0 $0x100, s20;
	s20 =	simm.s32 @!p0 $0x24000  }
0x2b: {  	[tilespmem:s19], [sflag:$0x1] =	stream.strided.gather @!p0 [hbm4b:s17+s18], $0x4000, s20, s18, $0x38;
	[tilespmem:$0x10200] =	vst v63  }
0x2c: {  	p0 =	sge.u32 s31, s6  }
.Ltmp2:
0x2d: {  	_ = 	snop;
	(pc) =	sbr.rel @p0 .LBB1_7-.Ltmp2, $1  }
0x2e: {  	_ =	sdelay $0x3  }
0x2f: {  	s18 =	sand.u32 $0x1, s13  }
0x30: {  	s17 =	smul.u32 $0x10400, s18  }
0x31: {  	_ =	swait.ge [sflag:s5], $0x4000  }
0x32: {  	s20 =	simm.s32 $0x0;
	[sflag:s5] =	ssyncset.done $0x0;
	s17 =	sshrl.u32 s17, $0x2  }
0x33: {  	s19 =	sshll.u32 s18, $0xE;
	[sflag:s5] =	ssyncadd.s32 $0xFFFFC000;
	s18 =	sor.u32 $0x8000, s17  }
.LBB1_3:
0x34: {  	s21 =	sshll.u32 s20, $0x8  }
0x35: {  	s21 =	sand.u32 $0x3FFFFF00, s21  }
0x36: {  	s21 =	sadd.s32 s21, s19  }
0x37: {  	v0 =	vmov s21;
	_ =	sdelay $0x1  }
0x38: {  	p0 =	por $0x1, $0x1;
	s21 =	simm.s32 $0x0  }
.LBB1_4:
0x39: {  	s22 =	sshll.u32 s21, $0x7  }
0x3a: {  	s22 =	sand.u32 $0x3FFFFF80, s22  }
0x3b: {  	s31 =	smul.u32 $0x8200, s21;
	v1 =	vld.idx.msk [tilespmem:v0+s22+$0x0 ss:$0x1], $0xffff  }
0x3c: {  	v2 =	vld.idx.msk [tilespmem:v0+s22+$0x10 ss:$0x1], $0xffff  }
0x3d: {  	s21 =	sshra.s32 s31, $0x2;
	v3 =	vld.idx.msk [tilespmem:v0+s22+$0x20 ss:$0x1], $0xffff  }
0x3e: {  	v4 =	vld.idx.msk [tilespmem:v0+s22+$0x30 ss:$0x1], $0xffff;
	s21 =	sadd.s32 s21, s18  }
0x3f: {  	v5 =	vld.idx.msk [tilespmem:v0+s22+$0x40 ss:$0x1], $0xffff;
	s21 =	sadd.s32 s20, s21  }
0x40: {  	[tilespmem:s21+$0x0 ss:$0x41] =	vst.msk $0xffff, v1;
	v1 =	vld.idx.msk [tilespmem:v0+s22+$0x50 ss:$0x1], $0xffff  }
0x41: {  	[tilespmem:s21+$0x410 ss:$0x41] =	vst.msk $0xffff, v2;
	v2 =	vld.idx.msk [tilespmem:v0+s22+$0x60 ss:$0x1], $0xffff  }
0x42: {  	p1 =	por p0, p0;
	[tilespmem:s21+$0x820 ss:$0x41] =	vst.msk $0xffff, v3;
	v3 =	vld.idx.msk [tilespmem:v0+s22+$0x70 ss:$0x1], $0xffff  }
.Ltmp3:
0x43: {  	[tilespmem:s21+$0xC30 ss:$0x41] =	vst.msk $0xffff, v4;
	(pc) =	sbr.rel @p1 .LBB1_4-.Ltmp3, $4  }
0x44: {  	[tilespmem:s21+$0x1040 ss:$0x41] =	vst.msk $0xffff, v5  }
0x45: {  	[tilespmem:s21+$0x1450 ss:$0x41] =	vst.msk $0xffff, v1  }
0x46: {  	[tilespmem:s21+$0x1860 ss:$0x41] =	vst.msk $0xffff, v2  }
0x47: {  	p0 =	por $0x0, $0x0;
	[tilespmem:s21+$0x1C70 ss:$0x41] =	vst.msk $0xffff, v3;
	s21 =	simm.s32 $0x1  }
0x48: {  	s20 =	sadd.s32 $0x1, s20  }
0x49: {  	p0 =	sne.s32 s20, $0x40  }
.Ltmp4:
0x4a: {  	_ = 	snop;
	(pc) =	sbr.rel @p0 .LBB1_3-.Ltmp4, $1  }
0x4b: {  	_ =	sdelay $0x3  }
0x4c: {  	s16 =	sshll.u32 s16, $0x7;
	s19 =	sshll.u32 s14, $0x3  }
0x4d: {  	s20 =	sand.u32 $0xFFFFFC00, s16;
	s19 =	sand.u32 $0xFFFFFC00, s19  }
0x4e: {  	s16 =	sand.u32 $0x380, s16;
	s19 =	sadd.s32 s19, s20  }
0x4f: {  	s16 =	sor.u32 s16, s19  }
0x50: {  	s16 =	sshrl.u32 s16, $0x7  }
0x51: {  	s28 =	smulhi.u32 $0xAAAAAB, s16;
	_ =	sdelay $0x1  }
0x52: {  	s19 =	smul.u32 $0x180, s28;
	_ =	sdelay $0x1  }
0x53: {  	s15 =	smul.u32 $0x1800, s15;
	s16 =	ssub.s32 s16, s19  }
0x54: {  	s29 =	sshrl.u32 s14, $0x3;
	s31 =	sand.u32 $0x7, s14;
	s16 =	sshll.u32 s16, $0x4  }
0x55: {  	s14 =	sshll.u32 s31, $0x12;
	s19 =	sand.u32 $0xF, s29;
	s30 =	sadd.s32 s15, s16  }
.Ltmp5:
0x56: {  	s15 =	sadd.s32 s15, s7;
	s20 =	sadd.s32 s4, s30;
	(pc) =	sbr.rel .LBB1_7-.Ltmp5, $4  }
0x57: {  	s14 =	sor.u32 $0x40, s14;
	s15 =	sadd.s32 s19, s15;
	s20 =	sadd.s32 s19, s20  }
0x58: {  	[hbm4b:s20+s14] =	stream.strided.scatter [tilespmem:s18], [sflag:$0x2], $0x2000, s9, s14, $0x18;
	[tilespmem:$0x10200] =	vst v63  }
0x59: {  	s17 =	sadd.s32 $0xA080, s17;
	s15 =	sadd.s32 s16, s15  }
0x5a: {  	[hbm4b:s15+s14] =	stream.strided.scatter [tilespmem:s17], [sflag:$0x2], $0x2000, s9, s14, $0x18;
	[tilespmem:$0x10200] =	vst v63  }
.LBB1_8:
0x5b: {  	_ =	sfence.sel $0x180000  }
0x5c: {  	s2 =	simm.s32 $0x1;
	[bflag:$0x0] =	sbarrier.arrive $0xFFFF  }
0x5d: {  	s31 =	simm.s32 $0x2;
	[sflag:s2] =	ssyncpa.u1 $0x1  }
0x5e: {  	[sflag:s31] =	ssyncpa.u1 $0x1  }
0x5f: {  	p0 =	sne.s32 s0, $0x0;
	_ =	strace $0x9000004A  }
0x60: {  	s0 =	sadd.s32 @!p0 $0x100000, s1;
	[bflag:$0x2] =	sbarrier.arrive $0xFFFF  }
0x61: {  	[sflag:s0] =	ssyncadd.tile.s32 @!p0 $0x1;
	_ =	shalt  }
.Lfunc_end1:
_tile_overlayer_lowered:
.L_overlay_start_2:
0x62: {  	(tag) =	ssettag $0x2  }
0x63: {  	s0 =	rddreg [dreg:$0x0];
	s2 =	stileid.u32  }
0x64: {  	s1 =	rddreg [dreg:$0x1];
	p0 =	sne.s32 s2, $0x0  }
0x65: {  	s3 =	rddreg [dreg:$0x2];
	[bflag:$0x3] =	sbarrier.arrive $0xFFFF;
	s2 =	simm.s32 @!p0 $0x1C01  }
0x66: {  	[timem:s3], [sflag:s2] =	dma.local @!p0 [hbm:s0], s1  }
0x67: {  	s0 =	simm.s32 @!p0 $0x1  }
0x68: {  	_ =	swait.ge @!p0 [sflag:s0], s1  }
0x69: {  	s1 =	ssub.s32 @!p0 $0x0, s1;
	[sflag:s0] =	ssyncset.done @!p0 $0x0  }
0x6a: {  	[sflag:s0] =	ssyncadd.s32 @!p0 s1  }
0x6b: {  	[bflag:$0x3] =	sbarrier.arrive $0xFFFF  }
0x6c: {  	_ =	shalt  }

// kernel: sparse-core-data-format-call.cloned.1.call-start
scs
called_computation.1_lowered:
.L_overlay_start_0:
0x0: {  	s2 =	sld [smem:$0x3FD9]  }
0x1: {  	s3 =	sld [smem:$0x3FFE];
	_ =	sdelay $0x1  }
0x2: {  	s1 =	srdreg.scid  }
0x3: {  	s0 =	sand.u32 $0x1, s1  }
0x4: {  	s16 =	sshll.u32 s0, $0xA;
	s2 =	sadd.s32 s3, s2  }
0x5: {  	s2 =	sadd.s32 s2, s16  }
0x6: {  	[smem:$0x3FC1] =	sst s2  }
0x7: {  	_ = 	snop  }
0x8: {  	s2 =	sld [smem:$0x3FD0];
	_ =	sdelay $0x2  }
0x9: {  	s17 =	simm.s32 $0xC;
	s4 =	simm.s32 $0x10  }
0xa: {  	[smem:s4], [sflag:s17] =	dma.local [hbm:s2], $0x1  }
0xb: {  	_ =	swait.eq [sflag:s17], $0x1  }
0xc: {  	[sflag:s17] =	ssyncset.done $0x0  }
0xd: {  	[sflag:s17] =	ssyncadd.s32 $0xFFFFFFFF  }
0xe: {  	s18 =	sld [smem:$0x11];
	(tm) =	ssettm $0x1  }
0xf: {  	s19 =	sld [smem:$0x3FFB];
	_ =	sdelay $0x3  }
0x10: {  	_ =	strace s19  }
0x11: {  	s2 =	sld [smem:$0x3FFC];
	_ =	sdelay $0x3  }
0x12: {  	_ =	strace s2  }
0x13: {  	s2 =	sld [smem:$0x3FFD];
	_ =	sdelay $0x3  }
0x14: {  	_ =	strace s2  }
0x15: {  	_ =	strace $0x8FFFFFFF  }
0x16: {  	s20 =	sld [smem:$0x3FDB];
	_ =	sdelay $0x1  }
0x17: {  	s21 =	simm.s32 $_scs_section_size  }
0x18: {  	s5 =	simm.s32 $_size__tile_overlayer_lowered;
	s6 =	simm.s32 $_tile_overlayer_lowered  }
0x19: {  	s7 =	simm.s32 $0x1BFF;
	s22 =	sshll.u32 s6, $0x1;
	s4 =	sadd.s32 s21, s20  }
0x1a: {  	s23 =	simm.s32 $0x0;
	s5 =	sshll.u32 s5, $0x1;
	s6 =	sadd.s32 s22, s4  }
0x1b: {  	[timem:s23], [sflag:s7] =	dma.local [hbm:s6], s5  }
0x1c: {  	_ =	swait.ge [sflag:s7], s5  }
0x1d: {  	s5 =	ssub.s32 $0x0, s5;
	[sflag:s7] =	ssyncset.done $0x0  }
0x1e: {  	[sflag:s7] =	ssyncadd.s32 s5;
	_ =	sdelay $0x1  }
0x1f: {  	s24 =	simm.s32 $0x1B8B  }
0x20: {  	_ =	swait.ge [sflag:s24], $0x1  }
0x21: {  	[sflag:s24] =	ssyncset.done $0x0  }
0x22: {  	[sflag:s24] =	ssyncadd.s32 $0xFFFFFFFF  }
0x23: {  	s5 =	sld [smem:$0x0]  }
0x24: {  	s6 =	sand.u32 $0xFFFFFFFE, s1  }
0x25: {  	p0 =	sne.s32 s1, s6  }
0x26: {  	s6 =	sshll.u32 @p0 s6, $0xE  }
0x27: {  	s6 =	sadd.s32 @p0 $0x11B8D, s6;
	s7 =	sshll.u32 @p0 s5, $0x11  }
0x28: {  	s6 =	sor.u32 @p0 s7, s6  }
0x29: {  	[sflag:s6] =	ssyncadd.remote.s32 @p0 $0x1;
	_ =	sdelay $0x1  }
0x2a: {  	s6 =	simm.s32 @p0 $0x1B8D  }
0x2b: {  	_ =	swait.eq @p0 [sflag:s6], $0x1  }
0x2c: {  	[sflag:s6] =	ssyncadd.s32 @p0 $0xFFFFFFFF  }
0x2d: {  	s7 =	sshll.u32 @!p0 s1, $0xE  }
0x2e: {  	s7 =	sor.u32 @!p0 $0x4000, s7;
	s6 =	simm.s32 @!p0 $0x1B8D  }
0x2f: {  	s5 =	sshll.u32 @!p0 s5, $0x11;
	s7 =	sadd.s32 @!p0 $0x11B8D, s7;
	_ =	swait.eq @!p0 [sflag:s6], $0x1  }
0x30: {  	s5 =	sor.u32 @!p0 s5, s7;
	[sflag:s6] =	ssyncadd.s32 @!p0 $0xFFFFFFFF  }
0x31: {  	s26 =	simm.s32 $0x1B8E;
	s25 =	sld [smem:$0x3FFE];
	[sflag:s5] =	ssyncadd.remote.s32 @!p0 $0x1  }
0x32: {  	s27 =	simm.s32 $execute0_lowered;
	[smem:$0x3FD2] =	sst s26  }
0x33: {  	s6 =	sshll.u32 s27, $0x1;
	_ =	strace $0x80000058;
	[dreg:$0x1] =	wrdreg $0xFFFFFFFF  }
0x34: {  	s28 =	simm.s32 $_size_execute0_lowered;
	s4 =	sadd.s32 s4, s6;
	[dreg:$0x0] =	wrdreg $0x0  }
0x35: {  	s6 =	sshll.u32 s28, $0x1;
	[dreg:$0x2] =	wrdreg s4  }
0x36: {  	[dreg:$0x3] =	wrdreg s6  }
0x37: {  	[dreg:$0x4] =	wrdreg $0xC0  }
0x38: {  	_ =	task [dreg:s23], $0x5FFFF  }
0x39: {  	[dreg:$0x1] =	wrdreg $0xFFFFFFFF  }
0x3a: {  	[dreg:$0x0] =	wrdreg $0x60  }
0x3b: {  	[dreg:$0x2] =	wrdreg s25  }
0x3c: {  	[dreg:$0x3] =	wrdreg s18  }
0x3d: {  	[dreg:$0x4] =	wrdreg $0x9  }
0x3e: {  	_ =	task.clear_ibuf [dreg:s23], $0x5FFFF;
	_ =	strace $0x90000058  }
0x3f: {  	s29 =	simm.s32 $0x9;
	_ =	strace $0x8000005A  }
0x40: {  	_ =	swait.ge [sflag:s29], $0x1  }
0x41: {  	[sflag:s29] =	ssyncadd.s32 $0xFFFFFFFF  }
0x42: {  	_ =	strace $0x9000005A  }
0x43: {  	_ =	sfence  }
0x44: {  	s30 =	sld [smem:$0x0];
	_ =	sdelay $0x2  }
0x45: {  	s31 =	sshll.u32 s1, $0xD;
	s1 =	sshrl.u32 s1, $0x2  }
0x46: {  	s4 =	sand.u32 $0x4000, s31;
	s1 =	sadd.s32 s1, s30  }
0x47: {  	s0 =	sor.u32 s4, s0;
	s1 =	sshll.u32 s1, $0x11  }
0x48: {  	s0 =	sor.u32 s1, s0  }
0x49: {  	s0 =	sadd.s32 $0x8F2B, s0  }
0x4a: {  	[sflag:s0] =	ssyncadd.remote.s32 $0x1  }
0x4b: {  	_ =	sfence.sel $0xFFFF  }
0x4c: {  	[dreg:$0x0] =	wrdreg $0xFFFFFFFF;
	(pc) =	sbr.abs _section_cstart, $3  }
0x4d: {  	[dreg:$0x1] =	wrdreg $0xFFFFFFFF  }
0x4e: {  	_ =	task.clear_ibuf [dreg:s23], $0x2FFFF;
	_ =	strace $0x9FFFFFFF  }
0x4f: {  	(tm) =	ssettm $0x7FFFFFFF  }
tec
execute0_lowered:
.L_overlay_start_1:
0x0: {  	(tag) =	ssettag $0x1  }
0x1: {  	s0 =	srdreg.scid  }
0x2: {  	s1 =	sshll.u32 s0, $0x4  }
0x3: {  	s4 =	rddreg [dreg:$0x0];
	s0 =	stileid.u32;
	s1 =	sand.u32 $0x10, s1  }
0x4: {  	s2 =	rddreg [dreg:$0x1];
	s7 =	simm.s32 $0x1;
	s1 =	sor.u32 s0, s1  }
0x5: {  	s8 =	simm.s32 $0x2;
	s11 =	simm.s32 $0x0;
	s3 =	sshll.u32 s1, $0x7  }
0x6: {  	s10 =	simm.s32 $0x0;
	s4 =	sadd.s32 $0x3E8800, s4;
	s6 =	ssub.s32 $0x60000, s3  }
.Ltmp0:
0x7: {  	s1 =	rddreg [dreg:$0x2];
	s5 =	sand.u32 $0xF80, s6;
	(pc) =	sbr.rel .LBB1_1-.Ltmp0, $4  }
0x8: {  	_ =	strace $0x80000059;
	s9 =	smov.u32 s3;
	p0 =	sne.s32 s5, $0x0  }
0x9: {  	s6 =	sshrl.u32 s6, $0xC;
	s5 =	simm.s32 $0x1;
	s7 =	simm.s32 @!p0 $0x0  }
0xa: {  	[sflag:s5] =	ssyncpa.u1 $0x0;
	p0 =	por $0x0, $0x0;
	s6 =	sadd.s32 s7, s6  }
0xb: {  	[sflag:s8] =	ssyncpa.u1 $0x0;
	s8 =	simm.s32 $0x300000;
	s7 =	sadd.s32 $0x1, s6  }
.LBB1_4:
0xc: {  	s14 =	sshll.u32 s11, $0x3  }
0xd: {  	s30 =	sand.u32 $0x7F, s11;
	s15 =	sand.u32 $0xFFFFFC00, s14  }
0xe: {  	s11 =	sor.u32 s30, s15  }
0xf: {  	s15 =	smulhi.u32 $0xAAAAAAAB, s11  }
0x10: {  	s14 =	smulhi.u32 $0xAAAAAAAB, s14  }
0x11: {  	s15 =	sshrl.u32 s15, $0x12  }
0x12: {  	s14 =	sshrl.u32 s14, $0x12;
	s15 =	smul.u32 $0x60000, s15  }
0x13: {  	s14 =	sand.u32 $0x3F, s14  }
0x14: {  	s14 =	smul.u32 $0xC000, s14;
	s11 =	ssub.s32 s11, s15  }
0x15: {  	[tilespmem:s13+$0x810 ss:$0x81] =	vst.msk $0xffff, v2;
	s15 =	sand.u32 $0x7, s11  }
0x16: {  	[tilespmem:s13+$0x1020 ss:$0x81] =	vst.msk $0xffff, v0;
	s14 =	sadd.s32 s2, s14;
	s11 =	sshrl.u32 s11, $0x3;
	s15 =	sshll.u32 s15, $0x12  }
0x17: {  	[tilespmem:s13+$0x0 ss:$0x81] =	vst.msk $0xffff, v1;
	s11 =	sadd.s32 s11, s14;
	s31 =	sor.u32 $0x400, s15  }
0x18: {  	[hbm4b:s11+s31] =	stream.strided.scatter [tilespmem:s12], [sflag:$0x2], $0x2000, s8, s31, $0x20;
	[tilespmem:$0x8080] =	vst v63  }
.LBB1_5:
0x19: {  	s13 =	sadd.s32 $0x1000, s9  }
0x1a: {  	p2 =	sgt.s32 s13, $0x5FFFF  }
0x1b: {  	s13 =	smov.u32 @p2 s3;
	p2 =	sne.s32 s10, s7  }
.Ltmp1:
0x1c: {  	p1 =	slt.u32 s10, $0x2;
	(pc) =	sbr.rel @!p2 .LBB1_6-.Ltmp1, $4  }
0x1d: {  	s12 =	simm.s32 @!p1 $0x2  }
0x1e: {  	s14 =	sadd.s32 $0x1, s10;
	_ =	swait.ge @!p1 [sflag:s12], $0x2000  }
0x1f: {  	s11 =	smov.u32 s9;
	p0 =	por !p0, !p0;
	[sflag:s12] =	ssyncset.done @!p1 $0x0  }
0x20: {  	s10 =	smov.u32 s14;
	s9 =	smov.u32 s13;
	[sflag:s12] =	ssyncadd.s32 @!p1 $0xFFFFE000  }
.LBB1_1:
0x21: {  	p1 =	sge.u32 s10, s6  }
0x22: {  	s12 =	sand.u32 @!p1 $0x1FFFFFF, s9  }
0x23: {  	s13 =	smulhi.u32 @!p1 $0xAAAAAB, s12;
	_ =	sdelay $0x1  }
0x24: {  	s13 =	sshrl.u32 @!p1 s13, $0xA  }
0x25: {  	s13 =	smul.u32 @!p1 $0x60000, s13;
	_ =	sdelay $0x1  }
0x26: {  	s31 =	sadd.s32 $0xFFFFFFFF, s10;
	s14 =	sxor.u32 @!p1 $0xFFFFFFFF, s10;
	s12 =	ssub.s32 @!p1 s12, s13  }
0x27: {  	s15 =	simm.s32 @!p1 $0x80;
	s14 =	sshll.u32 @!p1 s14, $0xD;
	s12 =	sshll.u32 @!p1 s12, $0x4  }
0x28: {  	s13 =	sand.u32 @!p1 $0x2000, s14;
	s14 =	simm.s32 @!p1 $0x40;
	s12 =	sadd.s32 @!p1 s4, s12  }
0x29: {  	[tilespmem:s13], [sflag:$0x1] =	stream.strided.gather @!p1 [hbm4b:s12+s14], $0x2000, s15, s14, $0x38;
	[tilespmem:$0x8080] =	vst v63  }
0x2a: {  	p1 =	sge.u32 s31, s6  }
.Ltmp2:
0x2b: {  	_ = 	snop;
	(pc) =	sbr.rel @p1 .LBB1_5-.Ltmp2, $1  }
0x2c: {  	_ =	sdelay $0x3  }
0x2d: {  	s12 =	simm.s32 $0x1  }
0x2e: {  	_ =	swait.ge [sflag:s5], $0x2000;
	s12 =	simm.s32 @!p0 $0x0  }
0x2f: {  	[sflag:s5] =	ssyncset.done $0x0;
	s13 =	sshll.u32 s12, $0xD  }
0x30: {  	[sflag:s5] =	ssyncadd.s32 $0xFFFFE000;
	s16 =	sor.u32 $0x20, s13  }
0x31: {  	s12 =	smul.u32 $0x8100, s12;
	v3 =	vld [tilespmem:s16+$0x10]  }
0x32: {  	s30 =	sand.u32 $0x1, s10;
	v2 =	vld [tilespmem:s16+$0xFFFFFFF0]  }
0x33: {  	s13 =	smul.u32 $0x8100, s30;
	s12 =	sshrl.u32 s12, $0x2;
	v0 =	vld [tilespmem:s16+$0x0]  }
0x34: {  	v1 =	vld [tilespmem:s16+$0xFFFFFFE0];
	s14 =	sor.u32 $0x4000, s12  }
0x35: {  	s31 =	sshrl.u32 s13, $0x2;
	s13 =	sadd.s32 $0x0, s14  }
0x36: {  	s15 =	simm.s32 $0x4;
	s16 =	sadd.s32 $0x40, s16;
	s12 =	sor.u32 $0x4000, s31;
	[tilespmem:s13+$0x1830 ss:$0x81] =	vst.msk $0xffff, v3  }
.LBB1_3:
0x37: {  	v3 =	vld [tilespmem:s16+$0x10];
	p1 =	sne.s32 s15, $0x1FC;
	[tilespmem:s13+$0x810 ss:$0x81] =	vst.msk $0xffff, v2;
	s17 =	smov.u32 s15;
	s15 =	sadd.s32 $0x4, s15  }
.Ltmp3:
0x38: {  	v2 =	vld [tilespmem:s16+$0xFFFFFFF0];
	[tilespmem:s13+$0x1020 ss:$0x81] =	vst.msk $0xffff, v0;
	(pc) =	sbr.rel @p1 .LBB1_3-.Ltmp3, $4  }
0x39: {  	v0 =	vld [tilespmem:s16+$0x0];
	[tilespmem:s13+$0x0 ss:$0x81] =	vst.msk $0xffff, v1  }
0x3a: {  	s13 =	sshra.s32 s17, $0x2;
	v1 =	vld [tilespmem:s16+$0xFFFFFFE0]  }
0x3b: {  	s13 =	sadd.s32 s13, s14  }
0x3c: {  	s16 =	sadd.s32 $0x40, s16;
	[tilespmem:s13+$0x1830 ss:$0x81] =	vst.msk $0xffff, v3  }
.Ltmp4:
0x3d: {  	_ = 	snop;
	(pc) =	sbr.rel .LBB1_4-.Ltmp4, $1  }
0x3e: {  	_ =	sdelay $0x3  }
.LBB1_6:
0x3f: {  	_ =	sfence.sel $0x180000  }
0x40: {  	s2 =	simm.s32 $0x1;
	[bflag:$0x0] =	sbarrier.arrive $0xFFFF  }
0x41: {  	s31 =	simm.s32 $0x2;
	[sflag:s2] =	ssyncpa.u1 $0x1  }
0x42: {  	[sflag:s31] =	ssyncpa.u1 $0x1  }
0x43: {  	p0 =	sne.s32 s0, $0x0;
	_ =	strace $0x90000059  }
0x44: {  	s0 =	sadd.s32 @!p0 $0x100000, s1;
	[bflag:$0x2] =	sbarrier.arrive $0xFFFF  }
0x45: {  	[sflag:s0] =	ssyncadd.tile.s32 @!p0 $0x1;
	_ =	shalt  }
.Lfunc_end1:
_tile_overlayer_lowered:
.L_overlay_start_2:
0x46: {  	(tag) =	ssettag $0x2  }
0x47: {  	s0 =	rddreg [dreg:$0x0];
	s2 =	stileid.u32  }
0x48: {  	s1 =	rddreg [dreg:$0x1];
	p0 =	sne.s32 s2, $0x0  }
0x49: {  	s3 =	rddreg [dreg:$0x2];
	[bflag:$0x3] =	sbarrier.arrive $0xFFFF;
	s2 =	simm.s32 @!p0 $0x1C01  }
0x4a: {  	[timem:s3], [sflag:s2] =	dma.local @!p0 [hbm:s0], s1  }
0x4b: {  	s0 =	simm.s32 @!p0 $0x1  }
0x4c: {  	_ =	swait.ge @!p0 [sflag:s0], s1  }
0x4d: {  	s1 =	ssub.s32 @!p0 $0x0, s1;
	[sflag:s0] =	ssyncset.done @!p0 $0x0  }
0x4e: {  	[sflag:s0] =	ssyncadd.s32 @!p0 s1  }
0x4f: {  	[bflag:$0x3] =	sbarrier.arrive $0xFFFF  }
0x50: {  	_ =	shalt  }

</sc_bundles>
